<compile_context>
chip_gen: v7x
topology: tpu7x:2x2x1
jax: 0.10.2.dev20260603
libtpu: 0.0.44.dev20260713+nightly
codegen_flags: <defaults>
</compile_context>

<pallas_src>
import functools

import jax
import jax.numpy as jnp
from jax import lax
from jax.experimental import pallas as pl
from jax.experimental.pallas import tpu as pltpu
from jax.experimental.pallas import tpu_sc as plsc

_RATIO = 0.5
_NC = 2
_NS = 16
_L = 16
_NW = _NC * _NS



def _hist_body(x_hbm, pref_hbm, out_hbm, buf0, buf1, hist, pref_v,
               sem0, sem1, *, n_total, b_bins, sh_pref, sh_idx, dual):
    n_rows = n_total // 2048
    rows_per_tile = n_rows // _NW
    n_blk = rows_per_tile // 8
    wid = lax.axis_index("s") * _NC + lax.axis_index("c")
    base = wid * rows_per_tile
    nbt = (2 if dual else 1) * b_bins

    def issue(i, buf, sem):
        pltpu.async_copy(x_hbm.at[pl.ds(base + i * 8, 8)], buf, sem)

    def drain(buf, sem):
        pltpu.make_async_copy(x_hbm.at[pl.ds(base, 8)], buf, sem).wait()

    issue(0, buf0, sem0)

    zeros16 = jnp.zeros((_L,), jnp.int32)
    col16 = lax.iota(jnp.int32, _L)

    @plsc.parallel_loop(0, nbt // 128, 1, unroll=4)
    def zero_body(r):
        rv = jnp.full((_L,), r, jnp.int32)
        for t in range(8):
            plsc.store_scatter(hist, [rv, col16 + t * _L], zeros16)

    pltpu.sync_copy(pref_hbm, pref_v)
    pa = pref_v[pl.ds(0, _L)]
    pb = pref_v[pl.ds(_L, _L)]

    ones = jnp.ones((_L,), jnp.int32)
    m127 = jnp.int32(127)
    rmask = jnp.int32(b_bins // 128 - 1)
    pmask = jnp.int32(0xFFFF)
    off_b = jnp.int32(b_bins // 128)

    def consume(buf):
        @plsc.parallel_loop(0, (8 * 2048) // _L, 1, unroll=8)
        def g_body(g):
            v = buf[g >> 7, pl.ds((g & 127) * _L, _L)]
            b = plsc.bitcast(v, jnp.int32)
            col = lax.bitwise_and(lax.shift_right_logical(b, sh_idx), m127)
            row = lax.bitwise_and(
                lax.shift_right_logical(b, sh_idx + 7), rmask)
            if dual:
                p = lax.bitwise_and(lax.shift_right_logical(b, sh_pref),
                                    pmask)
                plsc.addupdate_scatter(hist, [row, col], ones,
                                       mask=(p == pa))
                plsc.addupdate_scatter(hist, [row + off_b, col], ones,
                                       mask=(p == pb))
            else:
                plsc.addupdate_scatter(hist, [row, col], ones)

    def blk_body(j, c):
        i0 = 2 * j
        issue(i0 + 1, buf1, sem1)
        drain(buf0, sem0)
        consume(buf0)

        @pl.when(i0 + 2 < n_blk)
        def _():
            issue(i0 + 2, buf0, sem0)

        drain(buf1, sem1)
        consume(buf1)
        return c

    lax.fori_loop(0, n_blk // 2, blk_body, 0)
    pltpu.sync_copy(hist, out_hbm.at[wid])


def _make_hist(n_total, b_bins, sh_pref, sh_idx, dual):
    mesh = plsc.VectorSubcoreMesh(core_axis_name="c", subcore_axis_name="s",
                                  num_cores=_NC, num_subcores=_NS)
    nbt = (2 if dual else 1) * b_bins
    body = functools.partial(_hist_body, n_total=n_total, b_bins=b_bins,
                             sh_pref=sh_pref, sh_idx=sh_idx, dual=dual)
    return pl.kernel(
        body,
        out_type=jax.ShapeDtypeStruct((_NW, nbt // 128, 128), jnp.int32),
        mesh=mesh,
        compiler_params=pltpu.CompilerParams(needs_layout_passes=False),
        scratch_types=[
            pltpu.VMEM((8, 2048), jnp.float32),
            pltpu.VMEM((8, 2048), jnp.float32),
            pltpu.VMEM((nbt // 128, 128), jnp.int32),
            pltpu.VMEM((2 * _L,), jnp.int32),
            pltpu.SemaphoreType.DMA,
            pltpu.SemaphoreType.DMA,
        ],
    )


def _select_2d(hsum, rank):
    nr = hsum.shape[0]
    ri = lax.broadcasted_iota(jnp.int32, (nr, 1), 0).astype(jnp.float32)
    tri_r = (lax.broadcasted_iota(jnp.int32, (nr, nr), 0) >=
             lax.broadcasted_iota(jnp.int32, (nr, nr), 1)).astype(jnp.float32)
    rowsum = jnp.sum(hsum, axis=1, keepdims=True)
    s = jnp.sum(jnp.dot(tri_r, hsum,
                        precision=lax.Precision.HIGHEST),
                axis=1, keepdims=True)
    r = jnp.sum((s <= rank).astype(jnp.float32))
    base = jnp.sum(jnp.where(ri < r, rowsum, 0.0))
    rowvec = jnp.sum(jnp.where(ri == r, hsum, 0.0), axis=0,
                     keepdims=True)
    ci = lax.broadcasted_iota(jnp.int32, (1, 128), 1).astype(jnp.float32)
    tri_c = (lax.broadcasted_iota(jnp.int32, (128, 128), 0) <=
             lax.broadcasted_iota(jnp.int32, (128, 128), 1)).astype(jnp.float32)
    cc = jnp.dot(rowvec, tri_c,
                 precision=lax.Precision.HIGHEST)
    rank2 = rank - base
    col = jnp.sum((cc <= rank2).astype(jnp.float32))
    cc_at = jnp.sum(jnp.where(ci == col, cc, 0.0))
    cnt_at = jnp.sum(jnp.where(ci == col, rowvec, 0.0))
    return r * 128.0 + col, rank2 - (cc_at - cnt_at)


def _glue1_kernel(h_ref, pref_ref, ranks_ref, *, k):
    h = jnp.sum(h_ref[...].astype(jnp.float32), axis=0)
    ba, ra = _select_2d(h, jnp.float32(k))
    bb, rb = _select_2d(h, jnp.float32(k + 1))
    ba_i = ba.astype(jnp.int32)
    bb_i = bb.astype(jnp.int32)
    for i in range(_L):
        pref_ref[i] = ba_i
        pref_ref[_L + i] = bb_i
    ranks_ref[0] = ra.astype(jnp.int32)
    ranks_ref[1] = rb.astype(jnp.int32)


def _glue2_kernel(h_ref, pref_ref, ranks_ref, t_ref, *, frac):
    h = jnp.sum(h_ref[...].astype(jnp.float32), axis=0)
    b2a, _ = _select_2d(h[:256], ranks_ref[0].astype(jnp.float32))
    b2b, _ = _select_2d(h[256:], ranks_ref[1].astype(jnp.float32))
    bits_a = pref_ref[0] * 32768 + b2a.astype(jnp.int32)
    bits_b = pref_ref[_L] * 32768 + b2b.astype(jnp.int32)
    va = lax.bitcast_convert_type(bits_a, jnp.float32)
    vb = lax.bitcast_convert_type(bits_b, jnp.float32)
    t_ref[0] = va + (vb - va) * jnp.float32(frac)


def _mask_kernel(t_ref, x_ref, o_ref):
    xv = x_ref[...]
    o_ref[...] = jnp.where(jnp.abs(xv) > t_ref[0, 0], xv, 0.0)


@jax.jit
def kernel(x):
    shape = x.shape
    n = x.size
    x2d = x.reshape(n // 2048, 2048)

    pos = _RATIO * (n - 1)
    k = int(pos)
    frac = pos - k

    hist1 = _make_hist(n, 65536, 31, 15, False)
    hist2 = _make_hist(n, 32768, 15, 0, True)

    zero_pref = jnp.zeros((2 * _L,), jnp.int32)
    h1raw = hist1(x2d, zero_pref)

    pref2, ranks = pl.pallas_call(
        functools.partial(_glue1_kernel, k=k),
        in_specs=[pl.BlockSpec(memory_space=pltpu.VMEM)],
        out_specs=[pl.BlockSpec(memory_space=pltpu.SMEM),
                   pl.BlockSpec(memory_space=pltpu.SMEM)],
        out_shape=[jax.ShapeDtypeStruct((2 * _L,), jnp.int32),
                   jax.ShapeDtypeStruct((2,), jnp.int32)],
    )(h1raw)

    h2raw = hist2(x2d, pref2)
    t = pl.pallas_call(
        functools.partial(_glue2_kernel, frac=frac),
        in_specs=[pl.BlockSpec(memory_space=pltpu.VMEM),
                  pl.BlockSpec(memory_space=pltpu.SMEM),
                  pl.BlockSpec(memory_space=pltpu.SMEM)],
        out_specs=pl.BlockSpec(memory_space=pltpu.SMEM),
        out_shape=jax.ShapeDtypeStruct((1,), jnp.float32),
    )(h2raw, pref2, ranks)

    rows = n // 2048
    blk_rows = 256
    out = pl.pallas_call(
        _mask_kernel,
        grid=(rows // blk_rows,),
        in_specs=[
            pl.BlockSpec(memory_space=pltpu.SMEM),
            pl.BlockSpec((blk_rows, 2048), lambda i: (i, 0)),
        ],
        out_specs=pl.BlockSpec((blk_rows, 2048), lambda i: (i, 0)),
        out_shape=jax.ShapeDtypeStruct((rows, 2048), jnp.float32),
    )(t.reshape(1, 1), x.reshape(rows, 2048))
    return out.reshape(shape)

# --- scband reference (transcript-rebuilt; emitter-appended) ---
"""Pipeline reference for scband-adaptive-pruner-42073499632182 (READ-ONLY COPY).

The authoritative reference and input builder live on the scoring server;
editing this copy changes nothing except your own understanding.
"""

import jax, jax.numpy as jnp
import numpy as np

PRUNING_RATIO = 1.0 - 1000000 / 2000000  # = 0.5, from config.target_parameters

def setup_inputs(seed: int = 0) -> dict:
    key = jax.random.key(seed)
    x = jax.random.normal(key, (2, 2048, 2048), dtype=jnp.float32)
    return {"x": x}

def reference(x):
    # AdaptivePruner.forward in training mode with adaptive=True:
    # threshold = quantile(|x|, pruning_ratio); mask = |x| > threshold; return x * mask
    ax = jnp.abs(x)
    threshold = jnp.quantile(ax, PRUNING_RATIO)  # linear interpolation, matches torch.quantile default
    mask = ax > threshold
    return x * mask

if __name__ == "__main__":
    import jax
    _d = setup_inputs()
    print(jax.jit(kernel)(*tuple(_d.values())))

</pallas_src>

<mosaic_0001>
#map = affine_map<(d0, d1) -> (0, 0)>
#map1 = affine_map<(d0, d1) -> (0)>
#map2 = affine_map<(d0, d1) -> (0, 0, 0)>
module attributes {stable_mosaic.version = 14 : i64} {
  func.func @_hist_body(%arg0: i32, %arg1: i32, %arg2: memref<4096x2048xf32, #tpu.memory_space<hbm>>, %arg3: memref<32xi32, #tpu.memory_space<hbm>>, %arg4: memref<32x512x128xi32, #tpu.memory_space<hbm>>, %arg5: memref<8x2048xf32, #tpu.memory_space<vmem>>, %arg6: memref<8x2048xf32, #tpu.memory_space<vmem>>, %arg7: memref<512x128xi32, #tpu.memory_space<vmem>>, %arg8: memref<32xi32, #tpu.memory_space<vmem>>, %arg9: memref<!tpu.dma_semaphore, #tpu.memory_space<semaphore_mem>>, %arg10: memref<!tpu.dma_semaphore, #tpu.memory_space<semaphore_mem>>) attributes {dimension_semantics = [#tpu.dimension_semantics<core_parallel>, #tpu.dimension_semantics<subcore_parallel>], iteration_bounds = array<i64: 2, 16>, scalar_prefetch = 0 : i64, scratch_operands = 6 : i64, tpu.core_type = #tpu.core_type<sc_vector_subcore>, window_params = [{transform_indices = #map}, {transform_indices = #map1}, {transform_indices = #map2}]} {
    %mul3A = arith.constant 2 : i32
    %mul3A_0 = arith.muli %arg1, %mul3A : i32
    %add3A = arith.addi %mul3A_0, %arg0 : i32
    %mul3A_1 = arith.constant 128 : i32
    %mul3A_2 = arith.muli %add3A, %mul3A_1 : i32
    %add3A_3 = arith.constant 0 : i32
    %add3A_4 = arith.addi %mul3A_2, %add3A_3 : i32
    %dma_start3A = arith.constant 0 : i32
    %dma_start3A_5 = tpu.memref_slice %arg2[%add3A_4, %dma_start3A] : memref<4096x2048xf32, #tpu.memory_space<hbm>> -> memref<8x2048xf32, #tpu.memory_space<hbm>>
    %dma_start3A_6 = arith.constant 0 : i32
    %dma_start3A_7 = tpu.memref_slice %arg2[%add3A_4, %dma_start3A_6] : memref<4096x2048xf32, #tpu.memory_space<hbm>> -> memref<8x2048xf32, #tpu.memory_space<hbm>>
    tpu.enqueue_dma source(%dma_start3A_7 : memref<8x2048xf32, #tpu.memory_space<hbm>>) target(%arg5 : memref<8x2048xf32, #tpu.memory_space<vmem>>) target_semaphore(%arg9 : memref<!tpu.dma_semaphore, #tpu.memory_space<semaphore_mem>>)
    %broadcast_in_dim3A = arith.constant 0 : i32
    %broadcast_in_dim3A_8 = vector.broadcast %broadcast_in_dim3A : i32 to vector<16xi32>
    %iota3A = tpu.iota {dimensions = array<i32: 0>} : vector<16xi32>
    %parallel_loop3A = arith.constant 0 : i32
    %parallel_loop3A_9 = arith.constant 512 : i32
    %parallel_loop3A_10 = arith.constant 1 : i32
    scf.for %parallel_loop3A_25 = %parallel_loop3A to %parallel_loop3A_9 step %parallel_loop3A_10  : i32 {
      %parallel_loop3A_26 = vector.broadcast %parallel_loop3A_25 : i32 to vector<16xi32>
      %parallel_loop3A_27 = arith.constant 0 : i32
      %parallel_loop3A_28 = vector.broadcast %parallel_loop3A_27 : i32 to vector<16xi32>
      %parallel_loop3A_29 = arith.addi %iota3A, %parallel_loop3A_28 : vector<16xi32>
      tpu.vector_store_idx %arg7[%parallel_loop3A_26, %parallel_loop3A_29], %broadcast_in_dim3A_8 : memref<512x128xi32, #tpu.memory_space<vmem>>[vector<16xi32>, vector<16xi32>], vector<16xi32>,
      %parallel_loop3A_30 = arith.constant 16 : i32
      %parallel_loop3A_31 = vector.broadcast %parallel_loop3A_30 : i32 to vector<16xi32>
      %parallel_loop3A_32 = arith.addi %iota3A, %parallel_loop3A_31 : vector<16xi32>
      tpu.vector_store_idx %arg7[%parallel_loop3A_26, %parallel_loop3A_32], %broadcast_in_dim3A_8 : memref<512x128xi32, #tpu.memory_space<vmem>>[vector<16xi32>, vector<16xi32>], vector<16xi32>,
      %parallel_loop3A_33 = arith.constant 32 : i32
      %parallel_loop3A_34 = vector.broadcast %parallel_loop3A_33 : i32 to vector<16xi32>
      %parallel_loop3A_35 = arith.addi %iota3A, %parallel_loop3A_34 : vector<16xi32>
      tpu.vector_store_idx %arg7[%parallel_loop3A_26, %parallel_loop3A_35], %broadcast_in_dim3A_8 : memref<512x128xi32, #tpu.memory_space<vmem>>[vector<16xi32>, vector<16xi32>], vector<16xi32>,
      %parallel_loop3A_36 = arith.constant 48 : i32
      %parallel_loop3A_37 = vector.broadcast %parallel_loop3A_36 : i32 to vector<16xi32>
      %parallel_loop3A_38 = arith.addi %iota3A, %parallel_loop3A_37 : vector<16xi32>
      tpu.vector_store_idx %arg7[%parallel_loop3A_26, %parallel_loop3A_38], %broadcast_in_dim3A_8 : memref<512x128xi32, #tpu.memory_space<vmem>>[vector<16xi32>, vector<16xi32>], vector<16xi32>,
      %parallel_loop3A_39 = arith.constant 64 : i32
      %parallel_loop3A_40 = vector.broadcast %parallel_loop3A_39 : i32 to vector<16xi32>
      %parallel_loop3A_41 = arith.addi %iota3A, %parallel_loop3A_40 : vector<16xi32>
      tpu.vector_store_idx %arg7[%parallel_loop3A_26, %parallel_loop3A_41], %broadcast_in_dim3A_8 : memref<512x128xi32, #tpu.memory_space<vmem>>[vector<16xi32>, vector<16xi32>], vector<16xi32>,
      %parallel_loop3A_42 = arith.constant 80 : i32
      %parallel_loop3A_43 = vector.broadcast %parallel_loop3A_42 : i32 to vector<16xi32>
      %parallel_loop3A_44 = arith.addi %iota3A, %parallel_loop3A_43 : vector<16xi32>
      tpu.vector_store_idx %arg7[%parallel_loop3A_26, %parallel_loop3A_44], %broadcast_in_dim3A_8 : memref<512x128xi32, #tpu.memory_space<vmem>>[vector<16xi32>, vector<16xi32>], vector<16xi32>,
      %parallel_loop3A_45 = arith.constant 96 : i32
      %parallel_loop3A_46 = vector.broadcast %parallel_loop3A_45 : i32 to vector<16xi32>
      %parallel_loop3A_47 = arith.addi %iota3A, %parallel_loop3A_46 : vector<16xi32>
      tpu.vector_store_idx %arg7[%parallel_loop3A_26, %parallel_loop3A_47], %broadcast_in_dim3A_8 : memref<512x128xi32, #tpu.memory_space<vmem>>[vector<16xi32>, vector<16xi32>], vector<16xi32>,
      %parallel_loop3A_48 = arith.constant 112 : i32
      %parallel_loop3A_49 = vector.broadcast %parallel_loop3A_48 : i32 to vector<16xi32>
      %parallel_loop3A_50 = arith.addi %iota3A, %parallel_loop3A_49 : vector<16xi32>
      tpu.vector_store_idx %arg7[%parallel_loop3A_26, %parallel_loop3A_50], %broadcast_in_dim3A_8 : memref<512x128xi32, #tpu.memory_space<vmem>>[vector<16xi32>, vector<16xi32>], vector<16xi32>,
    } {sc.loop_unroll_factor = 4 : i64, sc.parallel_access}
    "tpu.region"() ({
      %run_scoped3A = tpu.sem_alloc : memref<!tpu.dma_semaphore, #tpu.memory_space<semaphore_mem>>
      tpu.enqueue_dma source(%arg3 : memref<32xi32, #tpu.memory_space<hbm>>) target(%arg8 : memref<32xi32, #tpu.memory_space<vmem>>) target_semaphore(%run_scoped3A : memref<!tpu.dma_semaphore, #tpu.memory_space<semaphore_mem>>)
      tpu.wait_dma2 semaphore(%run_scoped3A : memref<!tpu.dma_semaphore, #tpu.memory_space<semaphore_mem>>) src(%arg3 : memref<32xi32, #tpu.memory_space<hbm>>) dst(%arg8 : memref<32xi32, #tpu.memory_space<vmem>>)
      tpu.yield
    }) : () -> ()
    %get3A = arith.constant 0 : index
    %get3A_11 = tpu.vector_load %arg8[%get3A] {strides = array<i32>} : memref<32xi32, #tpu.memory_space<vmem>>, vector<16xi32>,
    %get3A_12 = arith.constant 16 : index
    %get3A_13 = tpu.vector_load %arg8[%get3A_12] {strides = array<i32>} : memref<32xi32, #tpu.memory_space<vmem>>, vector<16xi32>,
    %broadcast_in_dim3A_14 = arith.constant 1 : i32
    %broadcast_in_dim3A_15 = vector.broadcast %broadcast_in_dim3A_14 : i32 to vector<16xi32>
    %scan3A = arith.constant 0 : i32
    %scan3A_16 = arith.constant 127 : i32
    %scan3A_17 = arith.constant 255 : i32
    %scan3A_18 = arith.constant 65535 : i32
    %scan3A_19 = arith.constant 256 : i32
    %scan3A_20 = arith.constant 0 : i32
    %scan3A_21 = arith.constant 8 : i32
    %scan3A_22 = arith.addi %scan3A_20, %scan3A_21 : i32
    %scan3A_23 = arith.constant 1 : i32
    scf.for %scan3A_25 = %scan3A_20 to %scan3A_22 step %scan3A_23  : i32 {
      %mul3A_26 = arith.constant 2 : i32
      %mul3A_27 = arith.muli %mul3A_26, %scan3A_25 : i32
      %add3A_28 = arith.constant 1 : i32
      %add3A_29 = arith.addi %mul3A_27, %add3A_28 : i32
      %mul3A_30 = arith.constant 8 : i32
      %mul3A_31 = arith.muli %add3A_29, %mul3A_30 : i32
      %add3A_32 = arith.addi %mul3A_2, %mul3A_31 : i32
      %dma_start3A_33 = arith.constant 0 : i32
      %dma_start3A_34 = tpu.memref_slice %arg2[%add3A_32, %dma_start3A_33] : memref<4096x2048xf32, #tpu.memory_space<hbm>> -> memref<8x2048xf32, #tpu.memory_space<hbm>>
      %dma_start3A_35 = arith.constant 0 : i32
      %dma_start3A_36 = tpu.memref_slice %arg2[%add3A_32, %dma_start3A_35] : memref<4096x2048xf32, #tpu.memory_space<hbm>> -> memref<8x2048xf32, #tpu.memory_space<hbm>>
      tpu.enqueue_dma source(%dma_start3A_36 : memref<8x2048xf32, #tpu.memory_space<hbm>>) target(%arg6 : memref<8x2048xf32, #tpu.memory_space<vmem>>) target_semaphore(%arg10 : memref<!tpu.dma_semaphore, #tpu.memory_space<semaphore_mem>>)
      %dma_wait3A = arith.constant 0 : i32
      %dma_wait3A_37 = tpu.memref_slice %arg2[%mul3A_2, %dma_wait3A] : memref<4096x2048xf32, #tpu.memory_space<hbm>> -> memref<8x2048xf32, #tpu.memory_space<hbm>>
      %dma_wait3A_38 = arith.constant 0 : i32
      %dma_wait3A_39 = tpu.memref_slice %arg2[%mul3A_2, %dma_wait3A_38] : memref<4096x2048xf32, #tpu.memory_space<hbm>> -> memref<8x2048xf32, #tpu.memory_space<hbm>>
      tpu.wait_dma2 semaphore(%arg9 : memref<!tpu.dma_semaphore, #tpu.memory_space<semaphore_mem>>) src(%dma_wait3A_39 : memref<8x2048xf32, #tpu.memory_space<hbm>>) dst(%arg5 : memref<8x2048xf32, #tpu.memory_space<vmem>>)
      %parallel_loop3A_40 = arith.constant 0 : i32
      %parallel_loop3A_41 = arith.constant 1024 : i32
      %parallel_loop3A_42 = arith.constant 1 : i32
      scf.for %parallel_loop3A_54 = %parallel_loop3A_40 to %parallel_loop3A_41 step %parallel_loop3A_42  : i32 {
        %parallel_loop3A_55 = arith.constant 7 : i32
        %parallel_loop3A_56 = arith.shrsi %parallel_loop3A_54, %parallel_loop3A_55 : i32
        %parallel_loop3A_57 = arith.constant 127 : i32
        %parallel_loop3A_58 = arith.andi %parallel_loop3A_54, %parallel_loop3A_57 : i32
        %parallel_loop3A_59 = arith.constant 16 : i32
        %parallel_loop3A_60 = arith.muli %parallel_loop3A_58, %parallel_loop3A_59 : i32
        %parallel_loop3A_61 = arith.index_cast %parallel_loop3A_56 : i32 to index
        %parallel_loop3A_62 = arith.index_cast %parallel_loop3A_60 : i32 to index
        %parallel_loop3A_63 = tpu.vector_load %arg5[%parallel_loop3A_61, %parallel_loop3A_62] {strides = array<i32>} : memref<8x2048xf32, #tpu.memory_space<vmem>>, vector<16xf32>,
        %parallel_loop3A_64 = vector.bitcast %parallel_loop3A_63 : vector<16xf32> to vector<16xi32>
        %parallel_loop3A_65 = arith.constant 0 : i32
        %parallel_loop3A_66 = vector.broadcast %parallel_loop3A_65 : i32 to vector<16xi32>
        %parallel_loop3A_67 = arith.shrui %parallel_loop3A_64, %parallel_loop3A_66 : vector<16xi32>
        %parallel_loop3A_68 = vector.broadcast %scan3A_16 : i32 to vector<16xi32>
        %parallel_loop3A_69 = arith.andi %parallel_loop3A_67, %parallel_loop3A_68 : vector<16xi32>
        %parallel_loop3A_70 = arith.constant 7 : i32
        %parallel_loop3A_71 = vector.broadcast %parallel_loop3A_70 : i32 to vector<16xi32>
        %parallel_loop3A_72 = arith.shrui %parallel_loop3A_64, %parallel_loop3A_71 : vector<16xi32>
        %parallel_loop3A_73 = vector.broadcast %scan3A_17 : i32 to vector<16xi32>
        %parallel_loop3A_74 = arith.andi %parallel_loop3A_72, %parallel_loop3A_73 : vector<16xi32>
        %parallel_loop3A_75 = arith.constant 15 : i32
        %parallel_loop3A_76 = vector.broadcast %parallel_loop3A_75 : i32 to vector<16xi32>
        %parallel_loop3A_77 = arith.shrui %parallel_loop3A_64, %parallel_loop3A_76 : vector<16xi32>
        %parallel_loop3A_78 = vector.broadcast %scan3A_18 : i32 to vector<16xi32>
        %parallel_loop3A_79 = arith.andi %parallel_loop3A_77, %parallel_loop3A_78 : vector<16xi32>
        %parallel_loop3A_80 = arith.cmpi eq, %parallel_loop3A_79, %get3A_11 : vector<16xi32>
        tpu.vector_store_idx %arg7[%parallel_loop3A_74, %parallel_loop3A_69], %broadcast_in_dim3A_15 masked %parallel_loop3A_80 {add = true} : memref<512x128xi32, #tpu.memory_space<vmem>>[vector<16xi32>, vector<16xi32>], vector<16xi32>, vector<16xi1>
        %parallel_loop3A_81 = vector.broadcast %scan3A_19 : i32 to vector<16xi32>
        %parallel_loop3A_82 = arith.addi %parallel_loop3A_74, %parallel_loop3A_81 : vector<16xi32>
        %parallel_loop3A_83 = arith.cmpi eq, %parallel_loop3A_79, %get3A_13 : vector<16xi32>
        tpu.vector_store_idx %arg7[%parallel_loop3A_82, %parallel_loop3A_69], %broadcast_in_dim3A_15 masked %parallel_loop3A_83 {add = true} : memref<512x128xi32, #tpu.memory_space<vmem>>[vector<16xi32>, vector<16xi32>], vector<16xi32>, vector<16xi1>
      } {sc.loop_unroll_factor = 8 : i64, sc.parallel_access}
      %add3A_43 = arith.constant 2 : i32
      %add3A_44 = arith.addi %mul3A_27, %add3A_43 : i32
      %lt3A = arith.constant 16 : i32
      %lt3A_45 = arith.cmpi slt, %add3A_44, %lt3A : i32
      %convert_element_type3A = arith.extui %lt3A_45 : i1 to i32
      %cond3A = arith.constant 0 : i32
      %cond3A_46 = arith.cmpi ne, %convert_element_type3A, %cond3A : i32
      scf.if %cond3A_46 {
        %add3A_54 = arith.constant 2 : i32
        %add3A_55 = arith.addi %mul3A_27, %add3A_54 : i32
        %mul3A_56 = arith.constant 8 : i32
        %mul3A_57 = arith.muli %add3A_55, %mul3A_56 : i32
        %add3A_58 = arith.addi %mul3A_2, %mul3A_57 : i32
        %dma_start3A_59 = arith.constant 0 : i32
        %dma_start3A_60 = tpu.memref_slice %arg2[%add3A_58, %dma_start3A_59] : memref<4096x2048xf32, #tpu.memory_space<hbm>> -> memref<8x2048xf32, #tpu.memory_space<hbm>>
        %dma_start3A_61 = arith.constant 0 : i32
        %dma_start3A_62 = tpu.memref_slice %arg2[%add3A_58, %dma_start3A_61] : memref<4096x2048xf32, #tpu.memory_space<hbm>> -> memref<8x2048xf32, #tpu.memory_space<hbm>>
        tpu.enqueue_dma source(%dma_start3A_62 : memref<8x2048xf32, #tpu.memory_space<hbm>>) target(%arg5 : memref<8x2048xf32, #tpu.memory_space<vmem>>) target_semaphore(%arg9 : memref<!tpu.dma_semaphore, #tpu.memory_space<semaphore_mem>>)
      } else {
      }
      %dma_wait3A_47 = arith.constant 0 : i32
      %dma_wait3A_48 = tpu.memref_slice %arg2[%mul3A_2, %dma_wait3A_47] : memref<4096x2048xf32, #tpu.memory_space<hbm>> -> memref<8x2048xf32, #tpu.memory_space<hbm>>
      %dma_wait3A_49 = arith.constant 0 : i32
      %dma_wait3A_50 = tpu.memref_slice %arg2[%mul3A_2, %dma_wait3A_49] : memref<4096x2048xf32, #tpu.memory_space<hbm>> -> memref<8x2048xf32, #tpu.memory_space<hbm>>
      tpu.wait_dma2 semaphore(%arg10 : memref<!tpu.dma_semaphore, #tpu.memory_space<semaphore_mem>>) src(%dma_wait3A_50 : memref<8x2048xf32, #tpu.memory_space<hbm>>) dst(%arg6 : memref<8x2048xf32, #tpu.memory_space<vmem>>)
      %parallel_loop3A_51 = arith.constant 0 : i32
      %parallel_loop3A_52 = arith.constant 1024 : i32
      %parallel_loop3A_53 = arith.constant 1 : i32
      scf.for %parallel_loop3A_54 = %parallel_loop3A_51 to %parallel_loop3A_52 step %parallel_loop3A_53  : i32 {
        %parallel_loop3A_55 = arith.constant 7 : i32
        %parallel_loop3A_56 = arith.shrsi %parallel_loop3A_54, %parallel_loop3A_55 : i32
        %parallel_loop3A_57 = arith.constant 127 : i32
        %parallel_loop3A_58 = arith.andi %parallel_loop3A_54, %parallel_loop3A_57 : i32
        %parallel_loop3A_59 = arith.constant 16 : i32
        %parallel_loop3A_60 = arith.muli %parallel_loop3A_58, %parallel_loop3A_59 : i32
        %parallel_loop3A_61 = arith.index_cast %parallel_loop3A_56 : i32 to index
        %parallel_loop3A_62 = arith.index_cast %parallel_loop3A_60 : i32 to index
        %parallel_loop3A_63 = tpu.vector_load %arg6[%parallel_loop3A_61, %parallel_loop3A_62] {strides = array<i32>} : memref<8x2048xf32, #tpu.memory_space<vmem>>, vector<16xf32>,
        %parallel_loop3A_64 = vector.bitcast %parallel_loop3A_63 : vector<16xf32> to vector<16xi32>
        %parallel_loop3A_65 = arith.constant 0 : i32
        %parallel_loop3A_66 = vector.broadcast %parallel_loop3A_65 : i32 to vector<16xi32>
        %parallel_loop3A_67 = arith.shrui %parallel_loop3A_64, %parallel_loop3A_66 : vector<16xi32>
        %parallel_loop3A_68 = vector.broadcast %scan3A_16 : i32 to vector<16xi32>
        %parallel_loop3A_69 = arith.andi %parallel_loop3A_67, %parallel_loop3A_68 : vector<16xi32>
        %parallel_loop3A_70 = arith.constant 7 : i32
        %parallel_loop3A_71 = vector.broadcast %parallel_loop3A_70 : i32 to vector<16xi32>
        %parallel_loop3A_72 = arith.shrui %parallel_loop3A_64, %parallel_loop3A_71 : vector<16xi32>
        %parallel_loop3A_73 = vector.broadcast %scan3A_17 : i32 to vector<16xi32>
        %parallel_loop3A_74 = arith.andi %parallel_loop3A_72, %parallel_loop3A_73 : vector<16xi32>
        %parallel_loop3A_75 = arith.constant 15 : i32
        %parallel_loop3A_76 = vector.broadcast %parallel_loop3A_75 : i32 to vector<16xi32>
        %parallel_loop3A_77 = arith.shrui %parallel_loop3A_64, %parallel_loop3A_76 : vector<16xi32>
        %parallel_loop3A_78 = vector.broadcast %scan3A_18 : i32 to vector<16xi32>
        %parallel_loop3A_79 = arith.andi %parallel_loop3A_77, %parallel_loop3A_78 : vector<16xi32>
        %parallel_loop3A_80 = arith.cmpi eq, %parallel_loop3A_79, %get3A_11 : vector<16xi32>
        tpu.vector_store_idx %arg7[%parallel_loop3A_74, %parallel_loop3A_69], %broadcast_in_dim3A_15 masked %parallel_loop3A_80 {add = true} : memref<512x128xi32, #tpu.memory_space<vmem>>[vector<16xi32>, vector<16xi32>], vector<16xi32>, vector<16xi1>
        %parallel_loop3A_81 = vector.broadcast %scan3A_19 : i32 to vector<16xi32>
        %parallel_loop3A_82 = arith.addi %parallel_loop3A_74, %parallel_loop3A_81 : vector<16xi32>
        %parallel_loop3A_83 = arith.cmpi eq, %parallel_loop3A_79, %get3A_13 : vector<16xi32>
        tpu.vector_store_idx %arg7[%parallel_loop3A_82, %parallel_loop3A_69], %broadcast_in_dim3A_15 masked %parallel_loop3A_83 {add = true} : memref<512x128xi32, #tpu.memory_space<vmem>>[vector<16xi32>, vector<16xi32>], vector<16xi32>, vector<16xi1>
      } {sc.loop_unroll_factor = 8 : i64, sc.parallel_access}
    }
    %scan3A_24 = arith.constant 8 : i32
    "tpu.region"() ({
      %run_scoped3A = tpu.sem_alloc : memref<!tpu.dma_semaphore, #tpu.memory_space<semaphore_mem>>
      %dma_start3A_25 = arith.constant 0 : i32
      %dma_start3A_26 = arith.constant 0 : i32
      %dma_start3A_27 = tpu.memref_slice %arg4[%add3A, %dma_start3A_25, %dma_start3A_26] : memref<32x512x128xi32, #tpu.memory_space<hbm>> -> memref<1x512x128xi32, #tpu.memory_space<hbm>>
      %dma_start3A_28 = tpu.memref_squeeze %dma_start3A_27 : memref<1x512x128xi32, #tpu.memory_space<hbm>> -> memref<512x128xi32, #tpu.memory_space<hbm>>
      %dma_start3A_29 = arith.constant 0 : i32
      %dma_start3A_30 = arith.constant 0 : i32
      %dma_start3A_31 = tpu.memref_slice %arg4[%add3A, %dma_start3A_29, %dma_start3A_30] : memref<32x512x128xi32, #tpu.memory_space<hbm>> -> memref<1x512x128xi32, #tpu.memory_space<hbm>>
      %dma_start3A_32 = tpu.memref_squeeze %dma_start3A_31 : memref<1x512x128xi32, #tpu.memory_space<hbm>> -> memref<512x128xi32, #tpu.memory_space<hbm>>
      tpu.enqueue_dma source(%arg7 : memref<512x128xi32, #tpu.memory_space<vmem>>) target(%dma_start3A_32 : memref<512x128xi32, #tpu.memory_space<hbm>>) target_semaphore(%run_scoped3A : memref<!tpu.dma_semaphore, #tpu.memory_space<semaphore_mem>>)
      %dma_wait3A = arith.constant 0 : i32
      %dma_wait3A_33 = arith.constant 0 : i32
      %dma_wait3A_34 = tpu.memref_slice %arg4[%add3A, %dma_wait3A, %dma_wait3A_33] : memref<32x512x128xi32, #tpu.memory_space<hbm>> -> memref<1x512x128xi32, #tpu.memory_space<hbm>>
      %dma_wait3A_35 = tpu.memref_squeeze %dma_wait3A_34 : memref<1x512x128xi32, #tpu.memory_space<hbm>> -> memref<512x128xi32, #tpu.memory_space<hbm>>
      %dma_wait3A_36 = arith.constant 0 : i32
      %dma_wait3A_37 = arith.constant 0 : i32
      %dma_wait3A_38 = tpu.memref_slice %arg4[%add3A, %dma_wait3A_36, %dma_wait3A_37] : memref<32x512x128xi32, #tpu.memory_space<hbm>> -> memref<1x512x128xi32, #tpu.memory_space<hbm>>
      %dma_wait3A_39 = tpu.memref_squeeze %dma_wait3A_38 : memref<1x512x128xi32, #tpu.memory_space<hbm>> -> memref<512x128xi32, #tpu.memory_space<hbm>>
      tpu.wait_dma2 semaphore(%run_scoped3A : memref<!tpu.dma_semaphore, #tpu.memory_space<semaphore_mem>>) src(%arg7 : memref<512x128xi32, #tpu.memory_space<vmem>>) dst(%dma_wait3A_39 : memref<512x128xi32, #tpu.memory_space<hbm>>)
      tpu.yield
    }) : () -> ()
    return
  }
}

#map = affine_map<(d0, d1) -> (0, 0)>
#map1 = affine_map<(d0, d1) -> (0)>
#map2 = affine_map<(d0, d1) -> (0, 0, 0)>
module attributes {stable_mosaic.version = 14 : i64} {
  func.func @_hist_body(%arg0: i32, %arg1: i32, %arg2: memref<4096x2048xf32, #tpu.memory_space<hbm>>, %arg3: memref<32xi32, #tpu.memory_space<hbm>>, %arg4: memref<32x512x128xi32, #tpu.memory_space<hbm>>, %arg5: memref<8x2048xf32, #tpu.memory_space<vmem>>, %arg6: memref<8x2048xf32, #tpu.memory_space<vmem>>, %arg7: memref<512x128xi32, #tpu.memory_space<vmem>>, %arg8: memref<32xi32, #tpu.memory_space<vmem>>, %arg9: memref<!tpu.dma_semaphore, #tpu.memory_space<semaphore_mem>>, %arg10: memref<!tpu.dma_semaphore, #tpu.memory_space<semaphore_mem>>) attributes {dimension_semantics = [#tpu.dimension_semantics<core_parallel>, #tpu.dimension_semantics<subcore_parallel>], iteration_bounds = array<i64: 2, 16>, scalar_prefetch = 0 : i64, scratch_operands = 6 : i64, tpu.core_type = #tpu.core_type<sc_vector_subcore>, window_params = [{transform_indices = #map}, {transform_indices = #map1}, {transform_indices = #map2}]} {
    %mul3A = arith.constant 2 : i32
    %mul3A_0 = arith.muli %arg1, %mul3A : i32
    %add3A = arith.addi %mul3A_0, %arg0 : i32
    %mul3A_1 = arith.constant 128 : i32
    %mul3A_2 = arith.muli %add3A, %mul3A_1 : i32
    %add3A_3 = arith.constant 0 : i32
    %add3A_4 = arith.addi %mul3A_2, %add3A_3 : i32
    %dma_start3A = arith.constant 0 : i32
    %dma_start3A_5 = tpu.memref_slice %arg2[%add3A_4, %dma_start3A] : memref<4096x2048xf32, #tpu.memory_space<hbm>> -> memref<8x2048xf32, #tpu.memory_space<hbm>>
    %dma_start3A_6 = arith.constant 0 : i32
    %dma_start3A_7 = tpu.memref_slice %arg2[%add3A_4, %dma_start3A_6] : memref<4096x2048xf32, #tpu.memory_space<hbm>> -> memref<8x2048xf32, #tpu.memory_space<hbm>>
    tpu.enqueue_dma source(%dma_start3A_7 : memref<8x2048xf32, #tpu.memory_space<hbm>>) target(%arg5 : memref<8x2048xf32, #tpu.memory_space<vmem>>) target_semaphore(%arg9 : memref<!tpu.dma_semaphore, #tpu.memory_space<semaphore_mem>>)
    %broadcast_in_dim3A = arith.constant 0 : i32
    %broadcast_in_dim3A_8 = vector.broadcast %broadcast_in_dim3A : i32 to vector<16xi32>
    %iota3A = tpu.iota {dimensions = array<i32: 0>} : vector<16xi32>
    %parallel_loop3A = arith.constant 0 : i32
    %parallel_loop3A_9 = arith.constant 512 : i32
    %parallel_loop3A_10 = arith.constant 1 : i32
    scf.for %parallel_loop3A_23 = %parallel_loop3A to %parallel_loop3A_9 step %parallel_loop3A_10  : i32 {
      %parallel_loop3A_24 = vector.broadcast %parallel_loop3A_23 : i32 to vector<16xi32>
      %parallel_loop3A_25 = arith.constant 0 : i32
      %parallel_loop3A_26 = vector.broadcast %parallel_loop3A_25 : i32 to vector<16xi32>
      %parallel_loop3A_27 = arith.addi %iota3A, %parallel_loop3A_26 : vector<16xi32>
      tpu.vector_store_idx %arg7[%parallel_loop3A_24, %parallel_loop3A_27], %broadcast_in_dim3A_8 : memref<512x128xi32, #tpu.memory_space<vmem>>[vector<16xi32>, vector<16xi32>], vector<16xi32>,
      %parallel_loop3A_28 = arith.constant 16 : i32
      %parallel_loop3A_29 = vector.broadcast %parallel_loop3A_28 : i32 to vector<16xi32>
      %parallel_loop3A_30 = arith.addi %iota3A, %parallel_loop3A_29 : vector<16xi32>
      tpu.vector_store_idx %arg7[%parallel_loop3A_24, %parallel_loop3A_30], %broadcast_in_dim3A_8 : memref<512x128xi32, #tpu.memory_space<vmem>>[vector<16xi32>, vector<16xi32>], vector<16xi32>,
      %parallel_loop3A_31 = arith.constant 32 : i32
      %parallel_loop3A_32 = vector.broadcast %parallel_loop3A_31 : i32 to vector<16xi32>
      %parallel_loop3A_33 = arith.addi %iota3A, %parallel_loop3A_32 : vector<16xi32>
      tpu.vector_store_idx %arg7[%parallel_loop3A_24, %parallel_loop3A_33], %broadcast_in_dim3A_8 : memref<512x128xi32, #tpu.memory_space<vmem>>[vector<16xi32>, vector<16xi32>], vector<16xi32>,
      %parallel_loop3A_34 = arith.constant 48 : i32
      %parallel_loop3A_35 = vector.broadcast %parallel_loop3A_34 : i32 to vector<16xi32>
      %parallel_loop3A_36 = arith.addi %iota3A, %parallel_loop3A_35 : vector<16xi32>
      tpu.vector_store_idx %arg7[%parallel_loop3A_24, %parallel_loop3A_36], %broadcast_in_dim3A_8 : memref<512x128xi32, #tpu.memory_space<vmem>>[vector<16xi32>, vector<16xi32>], vector<16xi32>,
      %parallel_loop3A_37 = arith.constant 64 : i32
      %parallel_loop3A_38 = vector.broadcast %parallel_loop3A_37 : i32 to vector<16xi32>
      %parallel_loop3A_39 = arith.addi %iota3A, %parallel_loop3A_38 : vector<16xi32>
      tpu.vector_store_idx %arg7[%parallel_loop3A_24, %parallel_loop3A_39], %broadcast_in_dim3A_8 : memref<512x128xi32, #tpu.memory_space<vmem>>[vector<16xi32>, vector<16xi32>], vector<16xi32>,
      %parallel_loop3A_40 = arith.constant 80 : i32
      %parallel_loop3A_41 = vector.broadcast %parallel_loop3A_40 : i32 to vector<16xi32>
      %parallel_loop3A_42 = arith.addi %iota3A, %parallel_loop3A_41 : vector<16xi32>
      tpu.vector_store_idx %arg7[%parallel_loop3A_24, %parallel_loop3A_42], %broadcast_in_dim3A_8 : memref<512x128xi32, #tpu.memory_space<vmem>>[vector<16xi32>, vector<16xi32>], vector<16xi32>,
      %parallel_loop3A_43 = arith.constant 96 : i32
      %parallel_loop3A_44 = vector.broadcast %parallel_loop3A_43 : i32 to vector<16xi32>
      %parallel_loop3A_45 = arith.addi %iota3A, %parallel_loop3A_44 : vector<16xi32>
      tpu.vector_store_idx %arg7[%parallel_loop3A_24, %parallel_loop3A_45], %broadcast_in_dim3A_8 : memref<512x128xi32, #tpu.memory_space<vmem>>[vector<16xi32>, vector<16xi32>], vector<16xi32>,
      %parallel_loop3A_46 = arith.constant 112 : i32
      %parallel_loop3A_47 = vector.broadcast %parallel_loop3A_46 : i32 to vector<16xi32>
      %parallel_loop3A_48 = arith.addi %iota3A, %parallel_loop3A_47 : vector<16xi32>
      tpu.vector_store_idx %arg7[%parallel_loop3A_24, %parallel_loop3A_48], %broadcast_in_dim3A_8 : memref<512x128xi32, #tpu.memory_space<vmem>>[vector<16xi32>, vector<16xi32>], vector<16xi32>,
    } {sc.loop_unroll_factor = 4 : i64, sc.parallel_access}
    "tpu.region"() ({
      %run_scoped3A = tpu.sem_alloc : memref<!tpu.dma_semaphore, #tpu.memory_space<semaphore_mem>>
      tpu.enqueue_dma source(%arg3 : memref<32xi32, #tpu.memory_space<hbm>>) target(%arg8 : memref<32xi32, #tpu.memory_space<vmem>>) target_semaphore(%run_scoped3A : memref<!tpu.dma_semaphore, #tpu.memory_space<semaphore_mem>>)
      tpu.wait_dma2 semaphore(%run_scoped3A : memref<!tpu.dma_semaphore, #tpu.memory_space<semaphore_mem>>) src(%arg3 : memref<32xi32, #tpu.memory_space<hbm>>) dst(%arg8 : memref<32xi32, #tpu.memory_space<vmem>>)
      tpu.yield
    }) : () -> ()
    %get3A = arith.constant 0 : index
    %get3A_11 = tpu.vector_load %arg8[%get3A] {strides = array<i32>} : memref<32xi32, #tpu.memory_space<vmem>>, vector<16xi32>,
    %get3A_12 = arith.constant 16 : index
    %get3A_13 = tpu.vector_load %arg8[%get3A_12] {strides = array<i32>} : memref<32xi32, #tpu.memory_space<vmem>>, vector<16xi32>,
    %broadcast_in_dim3A_14 = arith.constant 1 : i32
    %broadcast_in_dim3A_15 = vector.broadcast %broadcast_in_dim3A_14 : i32 to vector<16xi32>
    %scan3A = arith.constant 0 : i32
    %scan3A_16 = arith.constant 127 : i32
    %scan3A_17 = arith.constant 511 : i32
    %scan3A_18 = arith.constant 0 : i32
    %scan3A_19 = arith.constant 8 : i32
    %scan3A_20 = arith.addi %scan3A_18, %scan3A_19 : i32
    %scan3A_21 = arith.constant 1 : i32
    scf.for %scan3A_23 = %scan3A_18 to %scan3A_20 step %scan3A_21  : i32 {
      %mul3A_24 = arith.constant 2 : i32
      %mul3A_25 = arith.muli %mul3A_24, %scan3A_23 : i32
      %add3A_26 = arith.constant 1 : i32
      %add3A_27 = arith.addi %mul3A_25, %add3A_26 : i32
      %mul3A_28 = arith.constant 8 : i32
      %mul3A_29 = arith.muli %add3A_27, %mul3A_28 : i32
      %add3A_30 = arith.addi %mul3A_2, %mul3A_29 : i32
      %dma_start3A_31 = arith.constant 0 : i32
      %dma_start3A_32 = tpu.memref_slice %arg2[%add3A_30, %dma_start3A_31] : memref<4096x2048xf32, #tpu.memory_space<hbm>> -> memref<8x2048xf32, #tpu.memory_space<hbm>>
      %dma_start3A_33 = arith.constant 0 : i32
      %dma_start3A_34 = tpu.memref_slice %arg2[%add3A_30, %dma_start3A_33] : memref<4096x2048xf32, #tpu.memory_space<hbm>> -> memref<8x2048xf32, #tpu.memory_space<hbm>>
      tpu.enqueue_dma source(%dma_start3A_34 : memref<8x2048xf32, #tpu.memory_space<hbm>>) target(%arg6 : memref<8x2048xf32, #tpu.memory_space<vmem>>) target_semaphore(%arg10 : memref<!tpu.dma_semaphore, #tpu.memory_space<semaphore_mem>>)
      %dma_wait3A = arith.constant 0 : i32
      %dma_wait3A_35 = tpu.memref_slice %arg2[%mul3A_2, %dma_wait3A] : memref<4096x2048xf32, #tpu.memory_space<hbm>> -> memref<8x2048xf32, #tpu.memory_space<hbm>>
      %dma_wait3A_36 = arith.constant 0 : i32
      %dma_wait3A_37 = tpu.memref_slice %arg2[%mul3A_2, %dma_wait3A_36] : memref<4096x2048xf32, #tpu.memory_space<hbm>> -> memref<8x2048xf32, #tpu.memory_space<hbm>>
      tpu.wait_dma2 semaphore(%arg9 : memref<!tpu.dma_semaphore, #tpu.memory_space<semaphore_mem>>) src(%dma_wait3A_37 : memref<8x2048xf32, #tpu.memory_space<hbm>>) dst(%arg5 : memref<8x2048xf32, #tpu.memory_space<vmem>>)
      %parallel_loop3A_38 = arith.constant 0 : i32
      %parallel_loop3A_39 = arith.constant 1024 : i32
      %parallel_loop3A_40 = arith.constant 1 : i32
      scf.for %parallel_loop3A_52 = %parallel_loop3A_38 to %parallel_loop3A_39 step %parallel_loop3A_40  : i32 {
        %parallel_loop3A_53 = arith.constant 7 : i32
        %parallel_loop3A_54 = arith.shrsi %parallel_loop3A_52, %parallel_loop3A_53 : i32
        %parallel_loop3A_55 = arith.constant 127 : i32
        %parallel_loop3A_56 = arith.andi %parallel_loop3A_52, %parallel_loop3A_55 : i32
        %parallel_loop3A_57 = arith.constant 16 : i32
        %parallel_loop3A_58 = arith.muli %parallel_loop3A_56, %parallel_loop3A_57 : i32
        %parallel_loop3A_59 = arith.index_cast %parallel_loop3A_54 : i32 to index
        %parallel_loop3A_60 = arith.index_cast %parallel_loop3A_58 : i32 to index
        %parallel_loop3A_61 = tpu.vector_load %arg5[%parallel_loop3A_59, %parallel_loop3A_60] {strides = array<i32>} : memref<8x2048xf32, #tpu.memory_space<vmem>>, vector<16xf32>,
        %parallel_loop3A_62 = vector.bitcast %parallel_loop3A_61 : vector<16xf32> to vector<16xi32>
        %parallel_loop3A_63 = arith.constant 15 : i32
        %parallel_loop3A_64 = vector.broadcast %parallel_loop3A_63 : i32 to vector<16xi32>
        %parallel_loop3A_65 = arith.shrui %parallel_loop3A_62, %parallel_loop3A_64 : vector<16xi32>
        %parallel_loop3A_66 = vector.broadcast %scan3A_16 : i32 to vector<16xi32>
        %parallel_loop3A_67 = arith.andi %parallel_loop3A_65, %parallel_loop3A_66 : vector<16xi32>
        %parallel_loop3A_68 = arith.constant 22 : i32
        %parallel_loop3A_69 = vector.broadcast %parallel_loop3A_68 : i32 to vector<16xi32>
        %parallel_loop3A_70 = arith.shrui %parallel_loop3A_62, %parallel_loop3A_69 : vector<16xi32>
        %parallel_loop3A_71 = vector.broadcast %scan3A_17 : i32 to vector<16xi32>
        %parallel_loop3A_72 = arith.andi %parallel_loop3A_70, %parallel_loop3A_71 : vector<16xi32>
        tpu.vector_store_idx %arg7[%parallel_loop3A_72, %parallel_loop3A_67], %broadcast_in_dim3A_15 {add = true} : memref<512x128xi32, #tpu.memory_space<vmem>>[vector<16xi32>, vector<16xi32>], vector<16xi32>,
      } {sc.loop_unroll_factor = 8 : i64, sc.parallel_access}
      %add3A_41 = arith.constant 2 : i32
      %add3A_42 = arith.addi %mul3A_25, %add3A_41 : i32
      %lt3A = arith.constant 16 : i32
      %lt3A_43 = arith.cmpi slt, %add3A_42, %lt3A : i32
      %convert_element_type3A = arith.extui %lt3A_43 : i1 to i32
      %cond3A = arith.constant 0 : i32
      %cond3A_44 = arith.cmpi ne, %convert_element_type3A, %cond3A : i32
      scf.if %cond3A_44 {
        %add3A_52 = arith.constant 2 : i32
        %add3A_53 = arith.addi %mul3A_25, %add3A_52 : i32
        %mul3A_54 = arith.constant 8 : i32
        %mul3A_55 = arith.muli %add3A_53, %mul3A_54 : i32
        %add3A_56 = arith.addi %mul3A_2, %mul3A_55 : i32
        %dma_start3A_57 = arith.constant 0 : i32
        %dma_start3A_58 = tpu.memref_slice %arg2[%add3A_56, %dma_start3A_57] : memref<4096x2048xf32, #tpu.memory_space<hbm>> -> memref<8x2048xf32, #tpu.memory_space<hbm>>
        %dma_start3A_59 = arith.constant 0 : i32
        %dma_start3A_60 = tpu.memref_slice %arg2[%add3A_56, %dma_start3A_59] : memref<4096x2048xf32, #tpu.memory_space<hbm>> -> memref<8x2048xf32, #tpu.memory_space<hbm>>
        tpu.enqueue_dma source(%dma_start3A_60 : memref<8x2048xf32, #tpu.memory_space<hbm>>) target(%arg5 : memref<8x2048xf32, #tpu.memory_space<vmem>>) target_semaphore(%arg9 : memref<!tpu.dma_semaphore, #tpu.memory_space<semaphore_mem>>)
      } else {
      }
      %dma_wait3A_45 = arith.constant 0 : i32
      %dma_wait3A_46 = tpu.memref_slice %arg2[%mul3A_2, %dma_wait3A_45] : memref<4096x2048xf32, #tpu.memory_space<hbm>> -> memref<8x2048xf32, #tpu.memory_space<hbm>>
      %dma_wait3A_47 = arith.constant 0 : i32
      %dma_wait3A_48 = tpu.memref_slice %arg2[%mul3A_2, %dma_wait3A_47] : memref<4096x2048xf32, #tpu.memory_space<hbm>> -> memref<8x2048xf32, #tpu.memory_space<hbm>>
      tpu.wait_dma2 semaphore(%arg10 : memref<!tpu.dma_semaphore, #tpu.memory_space<semaphore_mem>>) src(%dma_wait3A_48 : memref<8x2048xf32, #tpu.memory_space<hbm>>) dst(%arg6 : memref<8x2048xf32, #tpu.memory_space<vmem>>)
      %parallel_loop3A_49 = arith.constant 0 : i32
      %parallel_loop3A_50 = arith.constant 1024 : i32
      %parallel_loop3A_51 = arith.constant 1 : i32
      scf.for %parallel_loop3A_52 = %parallel_loop3A_49 to %parallel_loop3A_50 step %parallel_loop3A_51  : i32 {
        %parallel_loop3A_53 = arith.constant 7 : i32
        %parallel_loop3A_54 = arith.shrsi %parallel_loop3A_52, %parallel_loop3A_53 : i32
        %parallel_loop3A_55 = arith.constant 127 : i32
        %parallel_loop3A_56 = arith.andi %parallel_loop3A_52, %parallel_loop3A_55 : i32
        %parallel_loop3A_57 = arith.constant 16 : i32
        %parallel_loop3A_58 = arith.muli %parallel_loop3A_56, %parallel_loop3A_57 : i32
        %parallel_loop3A_59 = arith.index_cast %parallel_loop3A_54 : i32 to index
        %parallel_loop3A_60 = arith.index_cast %parallel_loop3A_58 : i32 to index
        %parallel_loop3A_61 = tpu.vector_load %arg6[%parallel_loop3A_59, %parallel_loop3A_60] {strides = array<i32>} : memref<8x2048xf32, #tpu.memory_space<vmem>>, vector<16xf32>,
        %parallel_loop3A_62 = vector.bitcast %parallel_loop3A_61 : vector<16xf32> to vector<16xi32>
        %parallel_loop3A_63 = arith.constant 15 : i32
        %parallel_loop3A_64 = vector.broadcast %parallel_loop3A_63 : i32 to vector<16xi32>
        %parallel_loop3A_65 = arith.shrui %parallel_loop3A_62, %parallel_loop3A_64 : vector<16xi32>
        %parallel_loop3A_66 = vector.broadcast %scan3A_16 : i32 to vector<16xi32>
        %parallel_loop3A_67 = arith.andi %parallel_loop3A_65, %parallel_loop3A_66 : vector<16xi32>
        %parallel_loop3A_68 = arith.constant 22 : i32
        %parallel_loop3A_69 = vector.broadcast %parallel_loop3A_68 : i32 to vector<16xi32>
        %parallel_loop3A_70 = arith.shrui %parallel_loop3A_62, %parallel_loop3A_69 : vector<16xi32>
        %parallel_loop3A_71 = vector.broadcast %scan3A_17 : i32 to vector<16xi32>
        %parallel_loop3A_72 = arith.andi %parallel_loop3A_70, %parallel_loop3A_71 : vector<16xi32>
        tpu.vector_store_idx %arg7[%parallel_loop3A_72, %parallel_loop3A_67], %broadcast_in_dim3A_15 {add = true} : memref<512x128xi32, #tpu.memory_space<vmem>>[vector<16xi32>, vector<16xi32>], vector<16xi32>,
      } {sc.loop_unroll_factor = 8 : i64, sc.parallel_access}
    }
    %scan3A_22 = arith.constant 8 : i32
    "tpu.region"() ({
      %run_scoped3A = tpu.sem_alloc : memref<!tpu.dma_semaphore, #tpu.memory_space<semaphore_mem>>
      %dma_start3A_23 = arith.constant 0 : i32
      %dma_start3A_24 = arith.constant 0 : i32
      %dma_start3A_25 = tpu.memref_slice %arg4[%add3A, %dma_start3A_23, %dma_start3A_24] : memref<32x512x128xi32, #tpu.memory_space<hbm>> -> memref<1x512x128xi32, #tpu.memory_space<hbm>>
      %dma_start3A_26 = tpu.memref_squeeze %dma_start3A_25 : memref<1x512x128xi32, #tpu.memory_space<hbm>> -> memref<512x128xi32, #tpu.memory_space<hbm>>
      %dma_start3A_27 = arith.constant 0 : i32
      %dma_start3A_28 = arith.constant 0 : i32
      %dma_start3A_29 = tpu.memref_slice %arg4[%add3A, %dma_start3A_27, %dma_start3A_28] : memref<32x512x128xi32, #tpu.memory_space<hbm>> -> memref<1x512x128xi32, #tpu.memory_space<hbm>>
      %dma_start3A_30 = tpu.memref_squeeze %dma_start3A_29 : memref<1x512x128xi32, #tpu.memory_space<hbm>> -> memref<512x128xi32, #tpu.memory_space<hbm>>
      tpu.enqueue_dma source(%arg7 : memref<512x128xi32, #tpu.memory_space<vmem>>) target(%dma_start3A_30 : memref<512x128xi32, #tpu.memory_space<hbm>>) target_semaphore(%run_scoped3A : memref<!tpu.dma_semaphore, #tpu.memory_space<semaphore_mem>>)
      %dma_wait3A = arith.constant 0 : i32
      %dma_wait3A_31 = arith.constant 0 : i32
      %dma_wait3A_32 = tpu.memref_slice %arg4[%add3A, %dma_wait3A, %dma_wait3A_31] : memref<32x512x128xi32, #tpu.memory_space<hbm>> -> memref<1x512x128xi32, #tpu.memory_space<hbm>>
      %dma_wait3A_33 = tpu.memref_squeeze %dma_wait3A_32 : memref<1x512x128xi32, #tpu.memory_space<hbm>> -> memref<512x128xi32, #tpu.memory_space<hbm>>
      %dma_wait3A_34 = arith.constant 0 : i32
      %dma_wait3A_35 = arith.constant 0 : i32
      %dma_wait3A_36 = tpu.memref_slice %arg4[%add3A, %dma_wait3A_34, %dma_wait3A_35] : memref<32x512x128xi32, #tpu.memory_space<hbm>> -> memref<1x512x128xi32, #tpu.memory_space<hbm>>
      %dma_wait3A_37 = tpu.memref_squeeze %dma_wait3A_36 : memref<1x512x128xi32, #tpu.memory_space<hbm>> -> memref<512x128xi32, #tpu.memory_space<hbm>>
      tpu.wait_dma2 semaphore(%run_scoped3A : memref<!tpu.dma_semaphore, #tpu.memory_space<semaphore_mem>>) src(%arg7 : memref<512x128xi32, #tpu.memory_space<vmem>>) dst(%dma_wait3A_37 : memref<512x128xi32, #tpu.memory_space<hbm>>)
      tpu.yield
    }) : () -> ()
    return
  }
}

module attributes {stable_mosaic.version = 14 : i64} {
  func.func @_glue1_kernel(%arg0: memref<32x512x128xi32, #tpu.memory_space<vmem>>, %arg1: memref<32xi32, #tpu.memory_space<smem>>, %arg2: memref<2xi32, #tpu.memory_space<smem>>) attributes {dimension_semantics = [], scalar_prefetch = 0 : i64, scratch_operands = 0 : i64, tpu.core_type = #tpu.core_type<tc>} {
    %get3A = arith.constant 0 : index
    %get3A_0 = arith.constant 0 : index
    %get3A_1 = arith.constant 0 : index
    %get3A_2 = vector.load %arg0[%get3A, %get3A_0, %get3A_1] : memref<32x512x128xi32, #tpu.memory_space<vmem>>, vector<32x512x128xi32>
    %convert_element_type3A = arith.sitofp %get3A_2 : vector<32x512x128xi32> to vector<32x512x128xf32>
    %reduce_sum3A = arith.constant dense<0.000000e+00> : vector<512x128xf32>
    %reduce_sum3A_3 = vector.multi_reduction <add>, %convert_element_type3A, %reduce_sum3A [0] : vector<32x512x128xf32> to vector<512x128xf32>
    %iota3A = tpu.iota {dimensions = array<i32: 0>} : vector<512x1xi32>
    %convert_element_type3A_4 = arith.sitofp %iota3A : vector<512x1xi32> to vector<512x1xf32>
    %iota3A_5 = tpu.iota {dimensions = array<i32: 0>} : vector<512x512xi32>
    %iota3A_6 = tpu.iota {dimensions = array<i32: 1>} : vector<512x512xi32>
    %ge3A = arith.cmpi sge, %iota3A_5, %iota3A_6 : vector<512x512xi32>
    %convert_element_type3A_7 = arith.extui %ge3A : vector<512x512xi1> to vector<512x512xi32>
    %convert_element_type3A_8 = arith.sitofp %convert_element_type3A_7 : vector<512x512xi32> to vector<512x512xf32>
    %reduce_sum3A_9 = arith.constant dense<0.000000e+00> : vector<512xf32>
    %reduce_sum3A_10 = vector.multi_reduction <add>, %reduce_sum3A_3, %reduce_sum3A_9 [1] : vector<512x128xf32> to vector<512xf32>
    %broadcast_in_dim3A = vector.shape_cast %reduce_sum3A_10 : vector<512xf32> to vector<512x1xf32>
    %dot_general3A = arith.constant dense<0.000000e+00> : vector<512x128xf32>
    %dot_general3A_11 = tpu.matmul %convert_element_type3A_8, %reduce_sum3A_3, %dot_general3A {dimension_numbers = #tpu.dot_dimension_numbers<[1], [0], [0], [1], [0, 0, 1, 1], [], []>, precision = #tpu.contract_precision<fp32>, transpose_lhs_hint = false} : vector<512x512xf32>, vector<512x128xf32>, vector<512x128xf32> -> vector<512x128xf32>
    %reduce_sum3A_12 = arith.constant dense<0.000000e+00> : vector<512xf32>
    %reduce_sum3A_13 = vector.multi_reduction <add>, %dot_general3A_11, %reduce_sum3A_12 [1] : vector<512x128xf32> to vector<512xf32>
    %broadcast_in_dim3A_14 = vector.shape_cast %reduce_sum3A_13 : vector<512xf32> to vector<512x1xf32>
    %le3A = arith.constant 0x4A7FFFFC : f32
    %le3A_15 = vector.broadcast %le3A : f32 to vector<512x1xf32>
    %le3A_16 = arith.cmpf ole, %broadcast_in_dim3A_14, %le3A_15 : vector<512x1xf32>
    %convert_element_type3A_17 = arith.extui %le3A_16 : vector<512x1xi1> to vector<512x1xi32>
    %convert_element_type3A_18 = arith.sitofp %convert_element_type3A_17 : vector<512x1xi32> to vector<512x1xf32>
    %reduce_sum3A_19 = vector.shape_cast %convert_element_type3A_18 : vector<512x1xf32> to vector<1x512x1xf32>
    %reduce_sum3A_20 = arith.constant dense<0.000000e+00> : vector<1xf32>
    %reduce_sum3A_21 = vector.multi_reduction <add>, %reduce_sum3A_19, %reduce_sum3A_20 [1, 2] : vector<1x512x1xf32> to vector<1xf32>
    %reduce_sum3A_22 = vector.shape_cast %reduce_sum3A_21 : vector<1xf32> to vector<1x1x1xf32>
    %reduce_sum3A_23 = vector.extract %reduce_sum3A_22[0, 0, 0] : f32 from vector<1x1x1xf32>
    %lt3A = vector.broadcast %reduce_sum3A_23 : f32 to vector<512x1xf32>
    %lt3A_24 = arith.cmpf olt, %convert_element_type3A_4, %lt3A : vector<512x1xf32>
    %jit3A = arith.constant 0.000000e+00 : f32
    %broadcast_in_dim3A_25 = vector.broadcast %jit3A : f32 to vector<512x1xf32>
    %select_n3A = arith.select %lt3A_24, %broadcast_in_dim3A, %broadcast_in_dim3A_25 : vector<512x1xi1>, vector<512x1xf32>
    %reduce_sum3A_26 = vector.shape_cast %select_n3A : vector<512x1xf32> to vector<1x512x1xf32>
    %reduce_sum3A_27 = arith.constant dense<0.000000e+00> : vector<1xf32>
    %reduce_sum3A_28 = vector.multi_reduction <add>, %reduce_sum3A_26, %reduce_sum3A_27 [1, 2] : vector<1x512x1xf32> to vector<1xf32>
    %reduce_sum3A_29 = vector.shape_cast %reduce_sum3A_28 : vector<1xf32> to vector<1x1x1xf32>
    %reduce_sum3A_30 = vector.extract %reduce_sum3A_29[0, 0, 0] : f32 from vector<1x1x1xf32>
    %eq3A = vector.broadcast %reduce_sum3A_23 : f32 to vector<512x1xf32>
    %eq3A_31 = arith.cmpf oeq, %convert_element_type3A_4, %eq3A : vector<512x1xf32>
    %jit3A_32 = arith.constant 0.000000e+00 : f32
    %broadcast_in_dim3A_33 = vector.shape_cast %eq3A_31 : vector<512x1xi1> to vector<512x1xi1>
    %broadcast_in_dim3A_34 = vector.broadcast %broadcast_in_dim3A_33 : vector<512x1xi1> to vector<512x128xi1>
    %broadcast_in_dim3A_35 = vector.broadcast %jit3A_32 : f32 to vector<512x128xf32>
    %select_n3A_36 = arith.select %broadcast_in_dim3A_34, %reduce_sum3A_3, %broadcast_in_dim3A_35 : vector<512x128xi1>, vector<512x128xf32>
    %reduce_sum3A_37 = arith.constant dense<0.000000e+00> : vector<128xf32>
    %reduce_sum3A_38 = vector.multi_reduction <add>, %select_n3A_36, %reduce_sum3A_37 [0] : vector<512x128xf32> to vector<128xf32>
    %broadcast_in_dim3A_39 = vector.shape_cast %reduce_sum3A_38 : vector<128xf32> to vector<1x128xf32>
    %iota3A_40 = tpu.iota {dimensions = array<i32: 1>} : vector<1x128xi32>
    %convert_element_type3A_41 = arith.sitofp %iota3A_40 : vector<1x128xi32> to vector<1x128xf32>
    %iota3A_42 = tpu.iota {dimensions = array<i32: 0>} : vector<128x128xi32>
    %iota3A_43 = tpu.iota {dimensions = array<i32: 1>} : vector<128x128xi32>
    %le3A_44 = arith.cmpi sle, %iota3A_42, %iota3A_43 : vector<128x128xi32>
    %convert_element_type3A_45 = arith.extui %le3A_44 : vector<128x128xi1> to vector<128x128xi32>
    %convert_element_type3A_46 = arith.sitofp %convert_element_type3A_45 : vector<128x128xi32> to vector<128x128xf32>
    %dot_general3A_47 = arith.constant dense<0.000000e+00> : vector<1x128xf32>
    %dot_general3A_48 = tpu.matmul %broadcast_in_dim3A_39, %convert_element_type3A_46, %dot_general3A_47 {dimension_numbers = #tpu.dot_dimension_numbers<[1], [0], [0], [1], [0, 0, 1, 1], [], []>, precision = #tpu.contract_precision<fp32>, transpose_lhs_hint = false} : vector<1x128xf32>, vector<128x128xf32>, vector<1x128xf32> -> vector<1x128xf32>
    %sub3A = arith.constant 0x4A7FFFFC : f32
    %sub3A_49 = arith.subf %sub3A, %reduce_sum3A_30 : f32
    %le3A_50 = vector.broadcast %sub3A_49 : f32 to vector<1x128xf32>
    %le3A_51 = arith.cmpf ole, %dot_general3A_48, %le3A_50 : vector<1x128xf32>
    %convert_element_type3A_52 = arith.extui %le3A_51 : vector<1x128xi1> to vector<1x128xi32>
    %convert_element_type3A_53 = arith.sitofp %convert_element_type3A_52 : vector<1x128xi32> to vector<1x128xf32>
    %reduce_sum3A_54 = vector.shape_cast %convert_element_type3A_53 : vector<1x128xf32> to vector<1x1x128xf32>
    %reduce_sum3A_55 = arith.constant dense<0.000000e+00> : vector<1xf32>
    %reduce_sum3A_56 = vector.multi_reduction <add>, %reduce_sum3A_54, %reduce_sum3A_55 [1, 2] : vector<1x1x128xf32> to vector<1xf32>
    %reduce_sum3A_57 = vector.shape_cast %reduce_sum3A_56 : vector<1xf32> to vector<1x1x1xf32>
    %reduce_sum3A_58 = vector.extract %reduce_sum3A_57[0, 0, 0] : f32 from vector<1x1x1xf32>
    %eq3A_59 = vector.broadcast %reduce_sum3A_58 : f32 to vector<1x128xf32>
    %eq3A_60 = arith.cmpf oeq, %convert_element_type3A_41, %eq3A_59 : vector<1x128xf32>
    %jit3A_61 = arith.constant 0.000000e+00 : f32
    %broadcast_in_dim3A_62 = vector.broadcast %jit3A_61 : f32 to vector<1x128xf32>
    %select_n3A_63 = arith.select %eq3A_60, %dot_general3A_48, %broadcast_in_dim3A_62 : vector<1x128xi1>, vector<1x128xf32>
    %reduce_sum3A_64 = vector.shape_cast %select_n3A_63 : vector<1x128xf32> to vector<1x1x128xf32>
    %reduce_sum3A_65 = arith.constant dense<0.000000e+00> : vector<1xf32>
    %reduce_sum3A_66 = vector.multi_reduction <add>, %reduce_sum3A_64, %reduce_sum3A_65 [1, 2] : vector<1x1x128xf32> to vector<1xf32>
    %reduce_sum3A_67 = vector.shape_cast %reduce_sum3A_66 : vector<1xf32> to vector<1x1x1xf32>
    %reduce_sum3A_68 = vector.extract %reduce_sum3A_67[0, 0, 0] : f32 from vector<1x1x1xf32>
    %eq3A_69 = vector.broadcast %reduce_sum3A_58 : f32 to vector<1x128xf32>
    %eq3A_70 = arith.cmpf oeq, %convert_element_type3A_41, %eq3A_69 : vector<1x128xf32>
    %jit3A_71 = arith.constant 0.000000e+00 : f32
    %broadcast_in_dim3A_72 = vector.broadcast %jit3A_71 : f32 to vector<1x128xf32>
    %select_n3A_73 = arith.select %eq3A_70, %broadcast_in_dim3A_39, %broadcast_in_dim3A_72 : vector<1x128xi1>, vector<1x128xf32>
    %reduce_sum3A_74 = vector.shape_cast %select_n3A_73 : vector<1x128xf32> to vector<1x1x128xf32>
    %reduce_sum3A_75 = arith.constant dense<0.000000e+00> : vector<1xf32>
    %reduce_sum3A_76 = vector.multi_reduction <add>, %reduce_sum3A_74, %reduce_sum3A_75 [1, 2] : vector<1x1x128xf32> to vector<1xf32>
    %reduce_sum3A_77 = vector.shape_cast %reduce_sum3A_76 : vector<1xf32> to vector<1x1x1xf32>
    %reduce_sum3A_78 = vector.extract %reduce_sum3A_77[0, 0, 0] : f32 from vector<1x1x1xf32>
    %mul3A = arith.constant 1.280000e+02 : f32
    %mul3A_79 = arith.mulf %reduce_sum3A_23, %mul3A : f32
    %add3A = arith.addf %mul3A_79, %reduce_sum3A_58 : f32
    %sub3A_80 = arith.subf %reduce_sum3A_68, %reduce_sum3A_78 : f32
    %sub3A_81 = arith.subf %sub3A_49, %sub3A_80 : f32
    %iota3A_82 = tpu.iota {dimensions = array<i32: 0>} : vector<512x1xi32>
    %convert_element_type3A_83 = arith.sitofp %iota3A_82 : vector<512x1xi32> to vector<512x1xf32>
    %iota3A_84 = tpu.iota {dimensions = array<i32: 0>} : vector<512x512xi32>
    %iota3A_85 = tpu.iota {dimensions = array<i32: 1>} : vector<512x512xi32>
    %ge3A_86 = arith.cmpi sge, %iota3A_84, %iota3A_85 : vector<512x512xi32>
    %convert_element_type3A_87 = arith.extui %ge3A_86 : vector<512x512xi1> to vector<512x512xi32>
    %convert_element_type3A_88 = arith.sitofp %convert_element_type3A_87 : vector<512x512xi32> to vector<512x512xf32>
    %reduce_sum3A_89 = arith.constant dense<0.000000e+00> : vector<512xf32>
    %reduce_sum3A_90 = vector.multi_reduction <add>, %reduce_sum3A_3, %reduce_sum3A_89 [1] : vector<512x128xf32> to vector<512xf32>
    %broadcast_in_dim3A_91 = vector.shape_cast %reduce_sum3A_90 : vector<512xf32> to vector<512x1xf32>
    %dot_general3A_92 = arith.constant dense<0.000000e+00> : vector<512x128xf32>
    %dot_general3A_93 = tpu.matmul %convert_element_type3A_88, %reduce_sum3A_3, %dot_general3A_92 {dimension_numbers = #tpu.dot_dimension_numbers<[1], [0], [0], [1], [0, 0, 1, 1], [], []>, precision = #tpu.contract_precision<fp32>, transpose_lhs_hint = false} : vector<512x512xf32>, vector<512x128xf32>, vector<512x128xf32> -> vector<512x128xf32>
    %reduce_sum3A_94 = arith.constant dense<0.000000e+00> : vector<512xf32>
    %reduce_sum3A_95 = vector.multi_reduction <add>, %dot_general3A_93, %reduce_sum3A_94 [1] : vector<512x128xf32> to vector<512xf32>
    %broadcast_in_dim3A_96 = vector.shape_cast %reduce_sum3A_95 : vector<512xf32> to vector<512x1xf32>
    %le3A_97 = arith.constant 0x4A800000 : f32
    %le3A_98 = vector.broadcast %le3A_97 : f32 to vector<512x1xf32>
    %le3A_99 = arith.cmpf ole, %broadcast_in_dim3A_96, %le3A_98 : vector<512x1xf32>
    %convert_element_type3A_100 = arith.extui %le3A_99 : vector<512x1xi1> to vector<512x1xi32>
    %convert_element_type3A_101 = arith.sitofp %convert_element_type3A_100 : vector<512x1xi32> to vector<512x1xf32>
    %reduce_sum3A_102 = vector.shape_cast %convert_element_type3A_101 : vector<512x1xf32> to vector<1x512x1xf32>
    %reduce_sum3A_103 = arith.constant dense<0.000000e+00> : vector<1xf32>
    %reduce_sum3A_104 = vector.multi_reduction <add>, %reduce_sum3A_102, %reduce_sum3A_103 [1, 2] : vector<1x512x1xf32> to vector<1xf32>
    %reduce_sum3A_105 = vector.shape_cast %reduce_sum3A_104 : vector<1xf32> to vector<1x1x1xf32>
    %reduce_sum3A_106 = vector.extract %reduce_sum3A_105[0, 0, 0] : f32 from vector<1x1x1xf32>
    %lt3A_107 = vector.broadcast %reduce_sum3A_106 : f32 to vector<512x1xf32>
    %lt3A_108 = arith.cmpf olt, %convert_element_type3A_83, %lt3A_107 : vector<512x1xf32>
    %jit3A_109 = arith.constant 0.000000e+00 : f32
    %broadcast_in_dim3A_110 = vector.broadcast %jit3A_109 : f32 to vector<512x1xf32>
    %select_n3A_111 = arith.select %lt3A_108, %broadcast_in_dim3A_91, %broadcast_in_dim3A_110 : vector<512x1xi1>, vector<512x1xf32>
    %reduce_sum3A_112 = vector.shape_cast %select_n3A_111 : vector<512x1xf32> to vector<1x512x1xf32>
    %reduce_sum3A_113 = arith.constant dense<0.000000e+00> : vector<1xf32>
    %reduce_sum3A_114 = vector.multi_reduction <add>, %reduce_sum3A_112, %reduce_sum3A_113 [1, 2] : vector<1x512x1xf32> to vector<1xf32>
    %reduce_sum3A_115 = vector.shape_cast %reduce_sum3A_114 : vector<1xf32> to vector<1x1x1xf32>
    %reduce_sum3A_116 = vector.extract %reduce_sum3A_115[0, 0, 0] : f32 from vector<1x1x1xf32>
    %eq3A_117 = vector.broadcast %reduce_sum3A_106 : f32 to vector<512x1xf32>
    %eq3A_118 = arith.cmpf oeq, %convert_element_type3A_83, %eq3A_117 : vector<512x1xf32>
    %jit3A_119 = arith.constant 0.000000e+00 : f32
    %broadcast_in_dim3A_120 = vector.shape_cast %eq3A_118 : vector<512x1xi1> to vector<512x1xi1>
    %broadcast_in_dim3A_121 = vector.broadcast %broadcast_in_dim3A_120 : vector<512x1xi1> to vector<512x128xi1>
    %broadcast_in_dim3A_122 = vector.broadcast %jit3A_119 : f32 to vector<512x128xf32>
    %select_n3A_123 = arith.select %broadcast_in_dim3A_121, %reduce_sum3A_3, %broadcast_in_dim3A_122 : vector<512x128xi1>, vector<512x128xf32>
    %reduce_sum3A_124 = arith.constant dense<0.000000e+00> : vector<128xf32>
    %reduce_sum3A_125 = vector.multi_reduction <add>, %select_n3A_123, %reduce_sum3A_124 [0] : vector<512x128xf32> to vector<128xf32>
    %broadcast_in_dim3A_126 = vector.shape_cast %reduce_sum3A_125 : vector<128xf32> to vector<1x128xf32>
    %iota3A_127 = tpu.iota {dimensions = array<i32: 1>} : vector<1x128xi32>
    %convert_element_type3A_128 = arith.sitofp %iota3A_127 : vector<1x128xi32> to vector<1x128xf32>
    %iota3A_129 = tpu.iota {dimensions = array<i32: 0>} : vector<128x128xi32>
    %iota3A_130 = tpu.iota {dimensions = array<i32: 1>} : vector<128x128xi32>
    %le3A_131 = arith.cmpi sle, %iota3A_129, %iota3A_130 : vector<128x128xi32>
    %convert_element_type3A_132 = arith.extui %le3A_131 : vector<128x128xi1> to vector<128x128xi32>
    %convert_element_type3A_133 = arith.sitofp %convert_element_type3A_132 : vector<128x128xi32> to vector<128x128xf32>
    %dot_general3A_134 = arith.constant dense<0.000000e+00> : vector<1x128xf32>
    %dot_general3A_135 = tpu.matmul %broadcast_in_dim3A_126, %convert_element_type3A_133, %dot_general3A_134 {dimension_numbers = #tpu.dot_dimension_numbers<[1], [0], [0], [1], [0, 0, 1, 1], [], []>, precision = #tpu.contract_precision<fp32>, transpose_lhs_hint = false} : vector<1x128xf32>, vector<128x128xf32>, vector<1x128xf32> -> vector<1x128xf32>
    %sub3A_136 = arith.constant 0x4A800000 : f32
    %sub3A_137 = arith.subf %sub3A_136, %reduce_sum3A_116 : f32
    %le3A_138 = vector.broadcast %sub3A_137 : f32 to vector<1x128xf32>
    %le3A_139 = arith.cmpf ole, %dot_general3A_135, %le3A_138 : vector<1x128xf32>
    %convert_element_type3A_140 = arith.extui %le3A_139 : vector<1x128xi1> to vector<1x128xi32>
    %convert_element_type3A_141 = arith.sitofp %convert_element_type3A_140 : vector<1x128xi32> to vector<1x128xf32>
    %reduce_sum3A_142 = vector.shape_cast %convert_element_type3A_141 : vector<1x128xf32> to vector<1x1x128xf32>
    %reduce_sum3A_143 = arith.constant dense<0.000000e+00> : vector<1xf32>
    %reduce_sum3A_144 = vector.multi_reduction <add>, %reduce_sum3A_142, %reduce_sum3A_143 [1, 2] : vector<1x1x128xf32> to vector<1xf32>
    %reduce_sum3A_145 = vector.shape_cast %reduce_sum3A_144 : vector<1xf32> to vector<1x1x1xf32>
    %reduce_sum3A_146 = vector.extract %reduce_sum3A_145[0, 0, 0] : f32 from vector<1x1x1xf32>
    %eq3A_147 = vector.broadcast %reduce_sum3A_146 : f32 to vector<1x128xf32>
    %eq3A_148 = arith.cmpf oeq, %convert_element_type3A_128, %eq3A_147 : vector<1x128xf32>
    %jit3A_149 = arith.constant 0.000000e+00 : f32
    %broadcast_in_dim3A_150 = vector.broadcast %jit3A_149 : f32 to vector<1x128xf32>
    %select_n3A_151 = arith.select %eq3A_148, %dot_general3A_135, %broadcast_in_dim3A_150 : vector<1x128xi1>, vector<1x128xf32>
    %reduce_sum3A_152 = vector.shape_cast %select_n3A_151 : vector<1x128xf32> to vector<1x1x128xf32>
    %reduce_sum3A_153 = arith.constant dense<0.000000e+00> : vector<1xf32>
    %reduce_sum3A_154 = vector.multi_reduction <add>, %reduce_sum3A_152, %reduce_sum3A_153 [1, 2] : vector<1x1x128xf32> to vector<1xf32>
    %reduce_sum3A_155 = vector.shape_cast %reduce_sum3A_154 : vector<1xf32> to vector<1x1x1xf32>
    %reduce_sum3A_156 = vector.extract %reduce_sum3A_155[0, 0, 0] : f32 from vector<1x1x1xf32>
    %eq3A_157 = vector.broadcast %reduce_sum3A_146 : f32 to vector<1x128xf32>
    %eq3A_158 = arith.cmpf oeq, %convert_element_type3A_128, %eq3A_157 : vector<1x128xf32>
    %jit3A_159 = arith.constant 0.000000e+00 : f32
    %broadcast_in_dim3A_160 = vector.broadcast %jit3A_159 : f32 to vector<1x128xf32>
    %select_n3A_161 = arith.select %eq3A_158, %broadcast_in_dim3A_126, %broadcast_in_dim3A_160 : vector<1x128xi1>, vector<1x128xf32>
    %reduce_sum3A_162 = vector.shape_cast %select_n3A_161 : vector<1x128xf32> to vector<1x1x128xf32>
    %reduce_sum3A_163 = arith.constant dense<0.000000e+00> : vector<1xf32>
    %reduce_sum3A_164 = vector.multi_reduction <add>, %reduce_sum3A_162, %reduce_sum3A_163 [1, 2] : vector<1x1x128xf32> to vector<1xf32>
    %reduce_sum3A_165 = vector.shape_cast %reduce_sum3A_164 : vector<1xf32> to vector<1x1x1xf32>
    %reduce_sum3A_166 = vector.extract %reduce_sum3A_165[0, 0, 0] : f32 from vector<1x1x1xf32>
    %mul3A_167 = arith.constant 1.280000e+02 : f32
    %mul3A_168 = arith.mulf %reduce_sum3A_106, %mul3A_167 : f32
    %add3A_169 = arith.addf %mul3A_168, %reduce_sum3A_146 : f32
    %sub3A_170 = arith.subf %reduce_sum3A_156, %reduce_sum3A_166 : f32
    %sub3A_171 = arith.subf %sub3A_137, %sub3A_170 : f32
    %convert_element_type3A_172 = arith.fptosi %add3A : f32 to i32
    %convert_element_type3A_173 = arith.fptosi %add3A_169 : f32 to i32
    %swap3A = arith.constant 0 : index
    %swap3A_174 = memref.load %arg1[%swap3A] : memref<32xi32, #tpu.memory_space<smem>>
    memref.store %convert_element_type3A_172, %arg1[%swap3A] : memref<32xi32, #tpu.memory_space<smem>>
    %swap3A_175 = arith.constant 16 : index
    %swap3A_176 = memref.load %arg1[%swap3A_175] : memref<32xi32, #tpu.memory_space<smem>>
    memref.store %convert_element_type3A_173, %arg1[%swap3A_175] : memref<32xi32, #tpu.memory_space<smem>>
    %swap3A_177 = arith.constant 1 : index
    %swap3A_178 = memref.load %arg1[%swap3A_177] : memref<32xi32, #tpu.memory_space<smem>>
    memref.store %convert_element_type3A_172, %arg1[%swap3A_177] : memref<32xi32, #tpu.memory_space<smem>>
    %swap3A_179 = arith.constant 17 : index
    %swap3A_180 = memref.load %arg1[%swap3A_179] : memref<32xi32, #tpu.memory_space<smem>>
    memref.store %convert_element_type3A_173, %arg1[%swap3A_179] : memref<32xi32, #tpu.memory_space<smem>>
    %swap3A_181 = arith.constant 2 : index
    %swap3A_182 = memref.load %arg1[%swap3A_181] : memref<32xi32, #tpu.memory_space<smem>>
    memref.store %convert_element_type3A_172, %arg1[%swap3A_181] : memref<32xi32, #tpu.memory_space<smem>>
    %swap3A_183 = arith.constant 18 : index
    %swap3A_184 = memref.load %arg1[%swap3A_183] : memref<32xi32, #tpu.memory_space<smem>>
    memref.store %convert_element_type3A_173, %arg1[%swap3A_183] : memref<32xi32, #tpu.memory_space<smem>>
    %swap3A_185 = arith.constant 3 : index
    %swap3A_186 = memref.load %arg1[%swap3A_185] : memref<32xi32, #tpu.memory_space<smem>>
    memref.store %convert_element_type3A_172, %arg1[%swap3A_185] : memref<32xi32, #tpu.memory_space<smem>>
    %swap3A_187 = arith.constant 19 : index
    %swap3A_188 = memref.load %arg1[%swap3A_187] : memref<32xi32, #tpu.memory_space<smem>>
    memref.store %convert_element_type3A_173, %arg1[%swap3A_187] : memref<32xi32, #tpu.memory_space<smem>>
    %swap3A_189 = arith.constant 4 : index
    %swap3A_190 = memref.load %arg1[%swap3A_189] : memref<32xi32, #tpu.memory_space<smem>>
    memref.store %convert_element_type3A_172, %arg1[%swap3A_189] : memref<32xi32, #tpu.memory_space<smem>>
    %swap3A_191 = arith.constant 20 : index
    %swap3A_192 = memref.load %arg1[%swap3A_191] : memref<32xi32, #tpu.memory_space<smem>>
    memref.store %convert_element_type3A_173, %arg1[%swap3A_191] : memref<32xi32, #tpu.memory_space<smem>>
    %swap3A_193 = arith.constant 5 : index
    %swap3A_194 = memref.load %arg1[%swap3A_193] : memref<32xi32, #tpu.memory_space<smem>>
    memref.store %convert_element_type3A_172, %arg1[%swap3A_193] : memref<32xi32, #tpu.memory_space<smem>>
    %swap3A_195 = arith.constant 21 : index
    %swap3A_196 = memref.load %arg1[%swap3A_195] : memref<32xi32, #tpu.memory_space<smem>>
    memref.store %convert_element_type3A_173, %arg1[%swap3A_195] : memref<32xi32, #tpu.memory_space<smem>>
    %swap3A_197 = arith.constant 6 : index
    %swap3A_198 = memref.load %arg1[%swap3A_197] : memref<32xi32, #tpu.memory_space<smem>>
    memref.store %convert_element_type3A_172, %arg1[%swap3A_197] : memref<32xi32, #tpu.memory_space<smem>>
    %swap3A_199 = arith.constant 22 : index
    %swap3A_200 = memref.load %arg1[%swap3A_199] : memref<32xi32, #tpu.memory_space<smem>>
    memref.store %convert_element_type3A_173, %arg1[%swap3A_199] : memref<32xi32, #tpu.memory_space<smem>>
    %swap3A_201 = arith.constant 7 : index
    %swap3A_202 = memref.load %arg1[%swap3A_201] : memref<32xi32, #tpu.memory_space<smem>>
    memref.store %convert_element_type3A_172, %arg1[%swap3A_201] : memref<32xi32, #tpu.memory_space<smem>>
    %swap3A_203 = arith.constant 23 : index
    %swap3A_204 = memref.load %arg1[%swap3A_203] : memref<32xi32, #tpu.memory_space<smem>>
    memref.store %convert_element_type3A_173, %arg1[%swap3A_203] : memref<32xi32, #tpu.memory_space<smem>>
    %swap3A_205 = arith.constant 8 : index
    %swap3A_206 = memref.load %arg1[%swap3A_205] : memref<32xi32, #tpu.memory_space<smem>>
    memref.store %convert_element_type3A_172, %arg1[%swap3A_205] : memref<32xi32, #tpu.memory_space<smem>>
    %swap3A_207 = arith.constant 24 : index
    %swap3A_208 = memref.load %arg1[%swap3A_207] : memref<32xi32, #tpu.memory_space<smem>>
    memref.store %convert_element_type3A_173, %arg1[%swap3A_207] : memref<32xi32, #tpu.memory_space<smem>>
    %swap3A_209 = arith.constant 9 : index
    %swap3A_210 = memref.load %arg1[%swap3A_209] : memref<32xi32, #tpu.memory_space<smem>>
    memref.store %convert_element_type3A_172, %arg1[%swap3A_209] : memref<32xi32, #tpu.memory_space<smem>>
    %swap3A_211 = arith.constant 25 : index
    %swap3A_212 = memref.load %arg1[%swap3A_211] : memref<32xi32, #tpu.memory_space<smem>>
    memref.store %convert_element_type3A_173, %arg1[%swap3A_211] : memref<32xi32, #tpu.memory_space<smem>>
    %swap3A_213 = arith.constant 10 : index
    %swap3A_214 = memref.load %arg1[%swap3A_213] : memref<32xi32, #tpu.memory_space<smem>>
    memref.store %convert_element_type3A_172, %arg1[%swap3A_213] : memref<32xi32, #tpu.memory_space<smem>>
    %swap3A_215 = arith.constant 26 : index
    %swap3A_216 = memref.load %arg1[%swap3A_215] : memref<32xi32, #tpu.memory_space<smem>>
    memref.store %convert_element_type3A_173, %arg1[%swap3A_215] : memref<32xi32, #tpu.memory_space<smem>>
    %swap3A_217 = arith.constant 11 : index
    %swap3A_218 = memref.load %arg1[%swap3A_217] : memref<32xi32, #tpu.memory_space<smem>>
    memref.store %convert_element_type3A_172, %arg1[%swap3A_217] : memref<32xi32, #tpu.memory_space<smem>>
    %swap3A_219 = arith.constant 27 : index
    %swap3A_220 = memref.load %arg1[%swap3A_219] : memref<32xi32, #tpu.memory_space<smem>>
    memref.store %convert_element_type3A_173, %arg1[%swap3A_219] : memref<32xi32, #tpu.memory_space<smem>>
    %swap3A_221 = arith.constant 12 : index
    %swap3A_222 = memref.load %arg1[%swap3A_221] : memref<32xi32, #tpu.memory_space<smem>>
    memref.store %convert_element_type3A_172, %arg1[%swap3A_221] : memref<32xi32, #tpu.memory_space<smem>>
    %swap3A_223 = arith.constant 28 : index
    %swap3A_224 = memref.load %arg1[%swap3A_223] : memref<32xi32, #tpu.memory_space<smem>>
    memref.store %convert_element_type3A_173, %arg1[%swap3A_223] : memref<32xi32, #tpu.memory_space<smem>>
    %swap3A_225 = arith.constant 13 : index
    %swap3A_226 = memref.load %arg1[%swap3A_225] : memref<32xi32, #tpu.memory_space<smem>>
    memref.store %convert_element_type3A_172, %arg1[%swap3A_225] : memref<32xi32, #tpu.memory_space<smem>>
    %swap3A_227 = arith.constant 29 : index
    %swap3A_228 = memref.load %arg1[%swap3A_227] : memref<32xi32, #tpu.memory_space<smem>>
    memref.store %convert_element_type3A_173, %arg1[%swap3A_227] : memref<32xi32, #tpu.memory_space<smem>>
    %swap3A_229 = arith.constant 14 : index
    %swap3A_230 = memref.load %arg1[%swap3A_229] : memref<32xi32, #tpu.memory_space<smem>>
    memref.store %convert_element_type3A_172, %arg1[%swap3A_229] : memref<32xi32, #tpu.memory_space<smem>>
    %swap3A_231 = arith.constant 30 : index
    %swap3A_232 = memref.load %arg1[%swap3A_231] : memref<32xi32, #tpu.memory_space<smem>>
    memref.store %convert_element_type3A_173, %arg1[%swap3A_231] : memref<32xi32, #tpu.memory_space<smem>>
    %swap3A_233 = arith.constant 15 : index
    %swap3A_234 = memref.load %arg1[%swap3A_233] : memref<32xi32, #tpu.memory_space<smem>>
    memref.store %convert_element_type3A_172, %arg1[%swap3A_233] : memref<32xi32, #tpu.memory_space<smem>>
    %swap3A_235 = arith.constant 31 : index
    %swap3A_236 = memref.load %arg1[%swap3A_235] : memref<32xi32, #tpu.memory_space<smem>>
    memref.store %convert_element_type3A_173, %arg1[%swap3A_235] : memref<32xi32, #tpu.memory_space<smem>>
    %convert_element_type3A_237 = arith.fptosi %sub3A_81 : f32 to i32
    %swap3A_238 = arith.constant 0 : index
    %swap3A_239 = memref.load %arg2[%swap3A_238] : memref<2xi32, #tpu.memory_space<smem>>
    memref.store %convert_element_type3A_237, %arg2[%swap3A_238] : memref<2xi32, #tpu.memory_space<smem>>
    %convert_element_type3A_240 = arith.fptosi %sub3A_171 : f32 to i32
    %swap3A_241 = arith.constant 1 : index
    %swap3A_242 = memref.load %arg2[%swap3A_241] : memref<2xi32, #tpu.memory_space<smem>>
    memref.store %convert_element_type3A_240, %arg2[%swap3A_241] : memref<2xi32, #tpu.memory_space<smem>>
    return
  }
}

module attributes {stable_mosaic.version = 14 : i64} {
  func.func @_mask_kernel(%arg0: i32, %arg1: memref<1x1xf32, #tpu.memory_space<smem>>, %arg2: memref<256x2048xf32, #tpu.memory_space<vmem>>, %arg3: memref<256x2048xf32, #tpu.memory_space<vmem>>) attributes {dimension_semantics = [#tpu.dimension_semantics<arbitrary>], iteration_bounds = array<i64: 16>, scalar_prefetch = 0 : i64, scratch_operands = 0 : i64, tpu.core_type = #tpu.core_type<tc>, window_params = [{transform_indices = @transform_0, window_bounds = array<i64: 1, 1>}, {transform_indices = @transform_1, window_bounds = array<i64: 256, 2048>}, {transform_indices = @transform_2, window_bounds = array<i64: 256, 2048>}]} {
    %get3A = arith.constant 0 : index
    %get3A_0 = arith.constant 0 : index
    %get3A_1 = vector.load %arg2[%get3A, %get3A_0] : memref<256x2048xf32, #tpu.memory_space<vmem>>, vector<256x2048xf32>
    %abs3A = math.absf %get3A_1 : vector<256x2048xf32>
    %get3A_2 = arith.constant 0 : index
    %get3A_3 = arith.constant 0 : index
    %get3A_4 = memref.load %arg1[%get3A_2, %get3A_3] : memref<1x1xf32, #tpu.memory_space<smem>>
    %gt3A = vector.broadcast %get3A_4 : f32 to vector<256x2048xf32>
    %gt3A_5 = arith.cmpf ogt, %abs3A, %gt3A : vector<256x2048xf32>
    %jit3A = arith.constant 0.000000e+00 : f32
    %broadcast_in_dim3A = vector.broadcast %jit3A : f32 to vector<256x2048xf32>
    %select_n3A = arith.select %gt3A_5, %get3A_1, %broadcast_in_dim3A : vector<256x2048xi1>, vector<256x2048xf32>
    %swap3A = arith.constant 0 : index
    %swap3A_6 = arith.constant 0 : index
    %swap3A_7 = vector.load %arg3[%swap3A, %swap3A_6] : memref<256x2048xf32, #tpu.memory_space<vmem>>, vector<256x2048xf32>
    tpu.vector_store %arg3[%swap3A, %swap3A_6], %select_n3A {strides = array<i32>} : memref<256x2048xf32, #tpu.memory_space<vmem>>, vector<256x2048xf32>,
    return
  }
  func.func @transform_0(%arg0: i32) -> (i32, i32) {
    %c0_i32 = arith.constant 0 : i32
    %c0_i32_0 = arith.constant 0 : i32
    %c0_i32_1 = arith.constant 0 : i32
    return %c0_i32, %c0_i32_0 : i32, i32
  }
  func.func @transform_1(%arg0: i32) -> (i32, i32) {
    %c0_i32 = arith.constant 0 : i32
    %c0_i32_0 = arith.constant 0 : i32
    return %arg0, %c0_i32 : i32, i32
  }
  func.func @transform_2(%arg0: i32) -> (i32, i32) {
    %c0_i32 = arith.constant 0 : i32
    %c0_i32_0 = arith.constant 0 : i32
    return %arg0, %c0_i32 : i32, i32
  }
}

module attributes {stable_mosaic.version = 14 : i64} {
  func.func @_glue2_kernel(%arg0: memref<32x512x128xi32, #tpu.memory_space<vmem>>, %arg1: memref<32xi32, #tpu.memory_space<smem>>, %arg2: memref<2xi32, #tpu.memory_space<smem>>, %arg3: memref<1xf32, #tpu.memory_space<smem>>) attributes {dimension_semantics = [], scalar_prefetch = 0 : i64, scratch_operands = 0 : i64, tpu.core_type = #tpu.core_type<tc>} {
    %get3A = arith.constant 0 : index
    %get3A_0 = arith.constant 0 : index
    %get3A_1 = arith.constant 0 : index
    %get3A_2 = vector.load %arg0[%get3A, %get3A_0, %get3A_1] : memref<32x512x128xi32, #tpu.memory_space<vmem>>, vector<32x512x128xi32>
    %convert_element_type3A = arith.sitofp %get3A_2 : vector<32x512x128xi32> to vector<32x512x128xf32>
    %reduce_sum3A = arith.constant dense<0.000000e+00> : vector<512x128xf32>
    %reduce_sum3A_3 = vector.multi_reduction <add>, %convert_element_type3A, %reduce_sum3A [0] : vector<32x512x128xf32> to vector<512x128xf32>
    %slice3A = vector.extract_strided_slice %reduce_sum3A_3 {offsets = [0, 0], sizes = [256, 128], strides = [1, 1]} : vector<512x128xf32> to vector<256x128xf32>
    %get3A_4 = arith.constant 0 : index
    %get3A_5 = memref.load %arg2[%get3A_4] : memref<2xi32, #tpu.memory_space<smem>>
    %convert_element_type3A_6 = arith.sitofp %get3A_5 : i32 to f32
    %iota3A = tpu.iota {dimensions = array<i32: 0>} : vector<256x1xi32>
    %convert_element_type3A_7 = arith.sitofp %iota3A : vector<256x1xi32> to vector<256x1xf32>
    %iota3A_8 = tpu.iota {dimensions = array<i32: 0>} : vector<256x256xi32>
    %iota3A_9 = tpu.iota {dimensions = array<i32: 1>} : vector<256x256xi32>
    %ge3A = arith.cmpi sge, %iota3A_8, %iota3A_9 : vector<256x256xi32>
    %convert_element_type3A_10 = arith.extui %ge3A : vector<256x256xi1> to vector<256x256xi32>
    %convert_element_type3A_11 = arith.sitofp %convert_element_type3A_10 : vector<256x256xi32> to vector<256x256xf32>
    %reduce_sum3A_12 = arith.constant dense<0.000000e+00> : vector<256xf32>
    %reduce_sum3A_13 = vector.multi_reduction <add>, %slice3A, %reduce_sum3A_12 [1] : vector<256x128xf32> to vector<256xf32>
    %broadcast_in_dim3A = vector.shape_cast %reduce_sum3A_13 : vector<256xf32> to vector<256x1xf32>
    %dot_general3A = arith.constant dense<0.000000e+00> : vector<256x128xf32>
    %dot_general3A_14 = tpu.matmul %convert_element_type3A_11, %slice3A, %dot_general3A {dimension_numbers = #tpu.dot_dimension_numbers<[1], [0], [0], [1], [0, 0, 1, 1], [], []>, precision = #tpu.contract_precision<fp32>, transpose_lhs_hint = false} : vector<256x256xf32>, vector<256x128xf32>, vector<256x128xf32> -> vector<256x128xf32>
    %reduce_sum3A_15 = arith.constant dense<0.000000e+00> : vector<256xf32>
    %reduce_sum3A_16 = vector.multi_reduction <add>, %dot_general3A_14, %reduce_sum3A_15 [1] : vector<256x128xf32> to vector<256xf32>
    %broadcast_in_dim3A_17 = vector.shape_cast %reduce_sum3A_16 : vector<256xf32> to vector<256x1xf32>
    %le3A = vector.broadcast %convert_element_type3A_6 : f32 to vector<256x1xf32>
    %le3A_18 = arith.cmpf ole, %broadcast_in_dim3A_17, %le3A : vector<256x1xf32>
    %convert_element_type3A_19 = arith.extui %le3A_18 : vector<256x1xi1> to vector<256x1xi32>
    %convert_element_type3A_20 = arith.sitofp %convert_element_type3A_19 : vector<256x1xi32> to vector<256x1xf32>
    %reduce_sum3A_21 = vector.shape_cast %convert_element_type3A_20 : vector<256x1xf32> to vector<1x256x1xf32>
    %reduce_sum3A_22 = arith.constant dense<0.000000e+00> : vector<1xf32>
    %reduce_sum3A_23 = vector.multi_reduction <add>, %reduce_sum3A_21, %reduce_sum3A_22 [1, 2] : vector<1x256x1xf32> to vector<1xf32>
    %reduce_sum3A_24 = vector.shape_cast %reduce_sum3A_23 : vector<1xf32> to vector<1x1x1xf32>
    %reduce_sum3A_25 = vector.extract %reduce_sum3A_24[0, 0, 0] : f32 from vector<1x1x1xf32>
    %lt3A = vector.broadcast %reduce_sum3A_25 : f32 to vector<256x1xf32>
    %lt3A_26 = arith.cmpf olt, %convert_element_type3A_7, %lt3A : vector<256x1xf32>
    %jit3A = arith.constant 0.000000e+00 : f32
    %broadcast_in_dim3A_27 = vector.broadcast %jit3A : f32 to vector<256x1xf32>
    %select_n3A = arith.select %lt3A_26, %broadcast_in_dim3A, %broadcast_in_dim3A_27 : vector<256x1xi1>, vector<256x1xf32>
    %reduce_sum3A_28 = vector.shape_cast %select_n3A : vector<256x1xf32> to vector<1x256x1xf32>
    %reduce_sum3A_29 = arith.constant dense<0.000000e+00> : vector<1xf32>
    %reduce_sum3A_30 = vector.multi_reduction <add>, %reduce_sum3A_28, %reduce_sum3A_29 [1, 2] : vector<1x256x1xf32> to vector<1xf32>
    %reduce_sum3A_31 = vector.shape_cast %reduce_sum3A_30 : vector<1xf32> to vector<1x1x1xf32>
    %reduce_sum3A_32 = vector.extract %reduce_sum3A_31[0, 0, 0] : f32 from vector<1x1x1xf32>
    %eq3A = vector.broadcast %reduce_sum3A_25 : f32 to vector<256x1xf32>
    %eq3A_33 = arith.cmpf oeq, %convert_element_type3A_7, %eq3A : vector<256x1xf32>
    %jit3A_34 = arith.constant 0.000000e+00 : f32
    %broadcast_in_dim3A_35 = vector.shape_cast %eq3A_33 : vector<256x1xi1> to vector<256x1xi1>
    %broadcast_in_dim3A_36 = vector.broadcast %broadcast_in_dim3A_35 : vector<256x1xi1> to vector<256x128xi1>
    %broadcast_in_dim3A_37 = vector.broadcast %jit3A_34 : f32 to vector<256x128xf32>
    %select_n3A_38 = arith.select %broadcast_in_dim3A_36, %slice3A, %broadcast_in_dim3A_37 : vector<256x128xi1>, vector<256x128xf32>
    %reduce_sum3A_39 = arith.constant dense<0.000000e+00> : vector<128xf32>
    %reduce_sum3A_40 = vector.multi_reduction <add>, %select_n3A_38, %reduce_sum3A_39 [0] : vector<256x128xf32> to vector<128xf32>
    %broadcast_in_dim3A_41 = vector.shape_cast %reduce_sum3A_40 : vector<128xf32> to vector<1x128xf32>
    %iota3A_42 = tpu.iota {dimensions = array<i32: 0>} : vector<128x128xi32>
    %iota3A_43 = tpu.iota {dimensions = array<i32: 1>} : vector<128x128xi32>
    %le3A_44 = arith.cmpi sle, %iota3A_42, %iota3A_43 : vector<128x128xi32>
    %convert_element_type3A_45 = arith.extui %le3A_44 : vector<128x128xi1> to vector<128x128xi32>
    %convert_element_type3A_46 = arith.sitofp %convert_element_type3A_45 : vector<128x128xi32> to vector<128x128xf32>
    %dot_general3A_47 = arith.constant dense<0.000000e+00> : vector<1x128xf32>
    %dot_general3A_48 = tpu.matmul %broadcast_in_dim3A_41, %convert_element_type3A_46, %dot_general3A_47 {dimension_numbers = #tpu.dot_dimension_numbers<[1], [0], [0], [1], [0, 0, 1, 1], [], []>, precision = #tpu.contract_precision<fp32>, transpose_lhs_hint = false} : vector<1x128xf32>, vector<128x128xf32>, vector<1x128xf32> -> vector<1x128xf32>
    %sub3A = arith.subf %convert_element_type3A_6, %reduce_sum3A_32 : f32
    %le3A_49 = vector.broadcast %sub3A : f32 to vector<1x128xf32>
    %le3A_50 = arith.cmpf ole, %dot_general3A_48, %le3A_49 : vector<1x128xf32>
    %convert_element_type3A_51 = arith.extui %le3A_50 : vector<1x128xi1> to vector<1x128xi32>
    %convert_element_type3A_52 = arith.sitofp %convert_element_type3A_51 : vector<1x128xi32> to vector<1x128xf32>
    %reduce_sum3A_53 = vector.shape_cast %convert_element_type3A_52 : vector<1x128xf32> to vector<1x1x128xf32>
    %reduce_sum3A_54 = arith.constant dense<0.000000e+00> : vector<1xf32>
    %reduce_sum3A_55 = vector.multi_reduction <add>, %reduce_sum3A_53, %reduce_sum3A_54 [1, 2] : vector<1x1x128xf32> to vector<1xf32>
    %reduce_sum3A_56 = vector.shape_cast %reduce_sum3A_55 : vector<1xf32> to vector<1x1x1xf32>
    %reduce_sum3A_57 = vector.extract %reduce_sum3A_56[0, 0, 0] : f32 from vector<1x1x1xf32>
    %mul3A = arith.constant 1.280000e+02 : f32
    %mul3A_58 = arith.mulf %reduce_sum3A_25, %mul3A : f32
    %add3A = arith.addf %mul3A_58, %reduce_sum3A_57 : f32
    %slice3A_59 = vector.extract_strided_slice %reduce_sum3A_3 {offsets = [256, 0], sizes = [256, 128], strides = [1, 1]} : vector<512x128xf32> to vector<256x128xf32>
    %get3A_60 = arith.constant 1 : index
    %get3A_61 = memref.load %arg2[%get3A_60] : memref<2xi32, #tpu.memory_space<smem>>
    %convert_element_type3A_62 = arith.sitofp %get3A_61 : i32 to f32
    %iota3A_63 = tpu.iota {dimensions = array<i32: 0>} : vector<256x1xi32>
    %convert_element_type3A_64 = arith.sitofp %iota3A_63 : vector<256x1xi32> to vector<256x1xf32>
    %iota3A_65 = tpu.iota {dimensions = array<i32: 0>} : vector<256x256xi32>
    %iota3A_66 = tpu.iota {dimensions = array<i32: 1>} : vector<256x256xi32>
    %ge3A_67 = arith.cmpi sge, %iota3A_65, %iota3A_66 : vector<256x256xi32>
    %convert_element_type3A_68 = arith.extui %ge3A_67 : vector<256x256xi1> to vector<256x256xi32>
    %convert_element_type3A_69 = arith.sitofp %convert_element_type3A_68 : vector<256x256xi32> to vector<256x256xf32>
    %reduce_sum3A_70 = arith.constant dense<0.000000e+00> : vector<256xf32>
    %reduce_sum3A_71 = vector.multi_reduction <add>, %slice3A_59, %reduce_sum3A_70 [1] : vector<256x128xf32> to vector<256xf32>
    %broadcast_in_dim3A_72 = vector.shape_cast %reduce_sum3A_71 : vector<256xf32> to vector<256x1xf32>
    %dot_general3A_73 = arith.constant dense<0.000000e+00> : vector<256x128xf32>
    %dot_general3A_74 = tpu.matmul %convert_element_type3A_69, %slice3A_59, %dot_general3A_73 {dimension_numbers = #tpu.dot_dimension_numbers<[1], [0], [0], [1], [0, 0, 1, 1], [], []>, precision = #tpu.contract_precision<fp32>, transpose_lhs_hint = false} : vector<256x256xf32>, vector<256x128xf32>, vector<256x128xf32> -> vector<256x128xf32>
    %reduce_sum3A_75 = arith.constant dense<0.000000e+00> : vector<256xf32>
    %reduce_sum3A_76 = vector.multi_reduction <add>, %dot_general3A_74, %reduce_sum3A_75 [1] : vector<256x128xf32> to vector<256xf32>
    %broadcast_in_dim3A_77 = vector.shape_cast %reduce_sum3A_76 : vector<256xf32> to vector<256x1xf32>
    %le3A_78 = vector.broadcast %convert_element_type3A_62 : f32 to vector<256x1xf32>
    %le3A_79 = arith.cmpf ole, %broadcast_in_dim3A_77, %le3A_78 : vector<256x1xf32>
    %convert_element_type3A_80 = arith.extui %le3A_79 : vector<256x1xi1> to vector<256x1xi32>
    %convert_element_type3A_81 = arith.sitofp %convert_element_type3A_80 : vector<256x1xi32> to vector<256x1xf32>
    %reduce_sum3A_82 = vector.shape_cast %convert_element_type3A_81 : vector<256x1xf32> to vector<1x256x1xf32>
    %reduce_sum3A_83 = arith.constant dense<0.000000e+00> : vector<1xf32>
    %reduce_sum3A_84 = vector.multi_reduction <add>, %reduce_sum3A_82, %reduce_sum3A_83 [1, 2] : vector<1x256x1xf32> to vector<1xf32>
    %reduce_sum3A_85 = vector.shape_cast %reduce_sum3A_84 : vector<1xf32> to vector<1x1x1xf32>
    %reduce_sum3A_86 = vector.extract %reduce_sum3A_85[0, 0, 0] : f32 from vector<1x1x1xf32>
    %lt3A_87 = vector.broadcast %reduce_sum3A_86 : f32 to vector<256x1xf32>
    %lt3A_88 = arith.cmpf olt, %convert_element_type3A_64, %lt3A_87 : vector<256x1xf32>
    %jit3A_89 = arith.constant 0.000000e+00 : f32
    %broadcast_in_dim3A_90 = vector.broadcast %jit3A_89 : f32 to vector<256x1xf32>
    %select_n3A_91 = arith.select %lt3A_88, %broadcast_in_dim3A_72, %broadcast_in_dim3A_90 : vector<256x1xi1>, vector<256x1xf32>
    %reduce_sum3A_92 = vector.shape_cast %select_n3A_91 : vector<256x1xf32> to vector<1x256x1xf32>
    %reduce_sum3A_93 = arith.constant dense<0.000000e+00> : vector<1xf32>
    %reduce_sum3A_94 = vector.multi_reduction <add>, %reduce_sum3A_92, %reduce_sum3A_93 [1, 2] : vector<1x256x1xf32> to vector<1xf32>
    %reduce_sum3A_95 = vector.shape_cast %reduce_sum3A_94 : vector<1xf32> to vector<1x1x1xf32>
    %reduce_sum3A_96 = vector.extract %reduce_sum3A_95[0, 0, 0] : f32 from vector<1x1x1xf32>
    %eq3A_97 = vector.broadcast %reduce_sum3A_86 : f32 to vector<256x1xf32>
    %eq3A_98 = arith.cmpf oeq, %convert_element_type3A_64, %eq3A_97 : vector<256x1xf32>
    %jit3A_99 = arith.constant 0.000000e+00 : f32
    %broadcast_in_dim3A_100 = vector.shape_cast %eq3A_98 : vector<256x1xi1> to vector<256x1xi1>
    %broadcast_in_dim3A_101 = vector.broadcast %broadcast_in_dim3A_100 : vector<256x1xi1> to vector<256x128xi1>
    %broadcast_in_dim3A_102 = vector.broadcast %jit3A_99 : f32 to vector<256x128xf32>
    %select_n3A_103 = arith.select %broadcast_in_dim3A_101, %slice3A_59, %broadcast_in_dim3A_102 : vector<256x128xi1>, vector<256x128xf32>
    %reduce_sum3A_104 = arith.constant dense<0.000000e+00> : vector<128xf32>
    %reduce_sum3A_105 = vector.multi_reduction <add>, %select_n3A_103, %reduce_sum3A_104 [0] : vector<256x128xf32> to vector<128xf32>
    %broadcast_in_dim3A_106 = vector.shape_cast %reduce_sum3A_105 : vector<128xf32> to vector<1x128xf32>
    %iota3A_107 = tpu.iota {dimensions = array<i32: 0>} : vector<128x128xi32>
    %iota3A_108 = tpu.iota {dimensions = array<i32: 1>} : vector<128x128xi32>
    %le3A_109 = arith.cmpi sle, %iota3A_107, %iota3A_108 : vector<128x128xi32>
    %convert_element_type3A_110 = arith.extui %le3A_109 : vector<128x128xi1> to vector<128x128xi32>
    %convert_element_type3A_111 = arith.sitofp %convert_element_type3A_110 : vector<128x128xi32> to vector<128x128xf32>
    %dot_general3A_112 = arith.constant dense<0.000000e+00> : vector<1x128xf32>
    %dot_general3A_113 = tpu.matmul %broadcast_in_dim3A_106, %convert_element_type3A_111, %dot_general3A_112 {dimension_numbers = #tpu.dot_dimension_numbers<[1], [0], [0], [1], [0, 0, 1, 1], [], []>, precision = #tpu.contract_precision<fp32>, transpose_lhs_hint = false} : vector<1x128xf32>, vector<128x128xf32>, vector<1x128xf32> -> vector<1x128xf32>
    %sub3A_114 = arith.subf %convert_element_type3A_62, %reduce_sum3A_96 : f32
    %le3A_115 = vector.broadcast %sub3A_114 : f32 to vector<1x128xf32>
    %le3A_116 = arith.cmpf ole, %dot_general3A_113, %le3A_115 : vector<1x128xf32>
    %convert_element_type3A_117 = arith.extui %le3A_116 : vector<1x128xi1> to vector<1x128xi32>
    %convert_element_type3A_118 = arith.sitofp %convert_element_type3A_117 : vector<1x128xi32> to vector<1x128xf32>
    %reduce_sum3A_119 = vector.shape_cast %convert_element_type3A_118 : vector<1x128xf32> to vector<1x1x128xf32>
    %reduce_sum3A_120 = arith.constant dense<0.000000e+00> : vector<1xf32>
    %reduce_sum3A_121 = vector.multi_reduction <add>, %reduce_sum3A_119, %reduce_sum3A_120 [1, 2] : vector<1x1x128xf32> to vector<1xf32>
    %reduce_sum3A_122 = vector.shape_cast %reduce_sum3A_121 : vector<1xf32> to vector<1x1x1xf32>
    %reduce_sum3A_123 = vector.extract %reduce_sum3A_122[0, 0, 0] : f32 from vector<1x1x1xf32>
    %mul3A_124 = arith.constant 1.280000e+02 : f32
    %mul3A_125 = arith.mulf %reduce_sum3A_86, %mul3A_124 : f32
    %add3A_126 = arith.addf %mul3A_125, %reduce_sum3A_123 : f32
    %get3A_127 = arith.constant 0 : index
    %get3A_128 = memref.load %arg1[%get3A_127] : memref<32xi32, #tpu.memory_space<smem>>
    %mul3A_129 = arith.constant 32768 : i32
    %mul3A_130 = arith.muli %get3A_128, %mul3A_129 : i32
    %convert_element_type3A_131 = arith.fptosi %add3A : f32 to i32
    %add3A_132 = arith.addi %mul3A_130, %convert_element_type3A_131 : i32
    %get3A_133 = arith.constant 16 : index
    %get3A_134 = memref.load %arg1[%get3A_133] : memref<32xi32, #tpu.memory_space<smem>>
    %mul3A_135 = arith.constant 32768 : i32
    %mul3A_136 = arith.muli %get3A_134, %mul3A_135 : i32
    %convert_element_type3A_137 = arith.fptosi %add3A_126 : f32 to i32
    %add3A_138 = arith.addi %mul3A_136, %convert_element_type3A_137 : i32
    %bitcast_convert_type3A = arith.bitcast %add3A_132 : i32 to f32
    %bitcast_convert_type3A_139 = arith.bitcast %add3A_138 : i32 to f32
    %sub3A_140 = arith.subf %bitcast_convert_type3A_139, %bitcast_convert_type3A : f32
    %mul3A_141 = arith.constant 5.000000e-01 : f32
    %mul3A_142 = arith.mulf %sub3A_140, %mul3A_141 : f32
    %add3A_143 = arith.addf %bitcast_convert_type3A, %mul3A_142 : f32
    %swap3A = arith.constant 0 : index
    %swap3A_144 = memref.load %arg3[%swap3A] : memref<1xf32, #tpu.memory_space<smem>>
    memref.store %add3A_143, %arg3[%swap3A] : memref<1xf32, #tpu.memory_space<smem>>
    return
  }
}

</mosaic_0001>

<sc_bundles>
// kernel: kernel.10.cloned.1.call-start
scs
__scs_entry_jumppad:
0x0: {  	(pc) =	sbr.rel $0x88, $3  }
0x1: {  	(tag) =	ssettag $0x0;
	lr =	simm.s32 $0x1  }
0x2: {  	[smem:$0x3FA0] =	sst lr;
	_ =	strace $0xD0000000  }
0x3: {  	_ = 	snop  }
0x4: {  	_ = 	snop  }
0x5: {  	_ = 	snop  }
0x6: {  	_ = 	snop  }
0x7: {  	_ = 	snop  }
__scs_overlays_trampoline_lowered:
0x8: {  	[smem:$0x3FAF] =	sst s0  }
0x9: {  	[smem:$0x3FB0] =	sst s1  }
0xa: {  	[smem:$0x3FB1] =	sst s2  }
0xb: {  	[smem:$0x3FB2] =	sst s3  }
0xc: {  	[smem:$0x3FB3] =	sst s4  }
0xd: {  	[smem:$0x3FB4] =	sst s5  }
0xe: {  	[smem:$0x3FB5] =	sst s6  }
0xf: {  	[smem:$0x3FB6] =	sst s7  }
0x10: {  	[smem:$0x3FB7] =	sst s8  }
0x11: {  	[smem:$0x3FB8] =	sst s9;
	s0 =	simm.s32 @!p0 $0x0  }
0x12: {  	s1 =	sld [smem:$0x3F9E];
	s0 =	simm.s32 @p0 $0x1  }
0x13: {  	[smem:$0x3FB9] =	sst s0;
	s0 =	simm.s32 @!p1 $0x0  }
0x14: {  	s2 =	sld [smem:$0x3F9D];
	s0 =	simm.s32 @p1 $0x1  }
0x15: {  	[smem:$0x3FBA] =	sst s0;
	s0 =	simm.s32 @!p2 $0x0  }
0x16: {  	s3 =	sld [smem:$0x3FDB];
	s0 =	simm.s32 @p2 $0x1  }
0x17: {  	s4 =	simm.s32 $0x1BF5;
	[smem:$0x3FBC] =	sst s0  }
0x18: {  	s0 =	sld [smem:$0x3F9F];
	_ =	swait.ge [sflag:s4], $0x0  }
0x19: {  	s7 =	sld [smem:$0x3FA0]  }
0x1a: {  	s8 =	sadd.s32 $0xFFFFE003, lr  }
0x1b: {  	s9 =	sadd.s32 $0xFFFFFEF7, lr;
	s5 =	simm.s32 $0xFFFFFFFF;
	p2 =	slt.u32 s8, $0xFFFFF086  }
0x1c: {  	p1 =	slt.u32 s9, $0xF7A;
	s5 =	simm.s32 @!p2 $0x0  }
0x1d: {  	s5 =	simm.s32 @p1 $0x1;
	p0 =	seq.s32 s7, s2  }
0x1e: {  	s7 =	smul.u32 @!p0 $0xF7A, s2;
	p2 =	seq.s32 @!p0 s5, $0x0  }
0x1f: {  	s9 =	smul.u32 $0xF7A, s1;
	s8 =	simm.s32 @!p0 $0x1BF5;
	p2 =	por !p2, p0  }
0x20: {  	[sflag:s8] =	ssyncset.s32 @!p0 $0xFFFFF086;
	s6 =	sadd.s32 @!p0 s3, s7;
	s7 =	simm.s32 @!p0 $0x108  }
0x21: {  	s3 =	sadd.s32 s3, s9;
	s6 =	sadd.s32 @!p0 $0x88, s6;
	s7 =	simm.s32 @p2 $0x1082  }
0x22: {  	[simem:s7], [sflag:s8] =	dma.local @!p0 [hbm:s6], $0xF7A  }
0x23: {  	s9 =	sor.u32 $0xD0000000, s2;
	s6 =	simm.s32 $0x108;
	_ =	swait.ge @!p0 [sflag:s8], $0x0  }
0x24: {  	s3 =	sadd.s32 $0x88, s3;
	s6 =	simm.s32 @!p1 $0x1082;
	[sflag:s4] =	ssyncset.s32 $0xFFFFF086  }
0x25: {  	[simem:s6], [sflag:s4] =	dma.local [hbm:s3], $0xF7A  }
0x26: {  	[smem:$0x3FA0] =	sst s1;
	(tag) =	ssettag s2;
	_ =	strace s9  }
0x27: {  	s1 =	sld [smem:$0x3FB0]  }
0x28: {  	s2 =	sld [smem:$0x3FB1]  }
0x29: {  	s4 =	sld [smem:$0x3FB3]  }
0x2a: {  	p0 =	seq.s32 s5, $0x0;
	s5 =	sld [smem:$0x3FB4]  }
0x2b: {  	s6 =	sld [smem:$0x3FB5]  }
0x2c: {  	s7 =	sld [smem:$0x3FB6]  }
0x2d: {  	s3 =	simm.s32 $0x108;
	s8 =	sld [smem:$0x3FB7]  }
0x2e: {  	s3 =	simm.s32 @!p0 $0x1082;
	s9 =	sld [smem:$0x3FB8]  }
0x2f: {  	lr =	sadd.s32 s0, s3;
	s0 =	sld [smem:$0x3FAF]  }
0x30: {  	s3 =	sld [smem:$0x3FB2]  }
0x31: {  	[smem:$0x3FBB] =	sst s10  }
0x32: {  	s10 =	sld [smem:$0x3FB9];
	_ =	sdelay $0x3  }
0x33: {  	p0 =	seq.s32 s10, $0x1;
	s10 =	sld [smem:$0x3FBB];
	_ =	sdelay $0x3  }
0x34: {  	[smem:$0x3FBB] =	sst s10  }
0x35: {  	s10 =	sld [smem:$0x3FBA];
	_ =	sdelay $0x3  }
0x36: {  	p1 =	seq.s32 s10, $0x1;
	s10 =	sld [smem:$0x3FBB];
	_ =	sdelay $0x3  }
0x37: {  	[smem:$0x3FBB] =	sst s10  }
0x38: {  	s10 =	sld [smem:$0x3FBC]  }
0x39: {  	_ = 	snop;
	(pc) =	sbr.ind lr, $3  }
0x3a: {  	_ = 	snop  }
0x3b: {  	_ = 	snop  }
0x3c: {  	p2 =	seq.s32 s10, $0x1;
	s10 =	sld [smem:$0x3FBB]  }
0x3d: {  	_ =	shalt  }
0x3e: {  	_ =	shalt  }
0x3f: {  	_ =	shalt  }
0x40: {  	_ =	shalt  }
0x41: {  	_ =	shalt  }
0x42: {  	_ =	shalt  }
0x43: {  	_ =	shalt  }
0x44: {  	_ =	shalt  }
0x45: {  	_ =	shalt  }
0x46: {  	_ =	shalt  }
0x47: {  	_ =	shalt  }
0x48: {  	_ =	shalt  }
0x49: {  	_ =	shalt  }
0x4a: {  	_ =	shalt  }
0x4b: {  	_ =	shalt  }
0x4c: {  	_ =	shalt  }
0x4d: {  	_ =	shalt  }
0x4e: {  	_ =	shalt  }
0x4f: {  	_ =	shalt  }
0x50: {  	_ =	shalt  }
0x51: {  	_ =	shalt  }
0x52: {  	_ =	shalt  }
0x53: {  	_ =	shalt  }
0x54: {  	_ =	shalt  }
0x55: {  	_ =	shalt  }
0x56: {  	_ =	shalt  }
0x57: {  	_ =	shalt  }
0x58: {  	_ =	shalt  }
0x59: {  	_ =	shalt  }
0x5a: {  	_ =	shalt  }
0x5b: {  	_ =	shalt  }
0x5c: {  	_ =	shalt  }
0x5d: {  	_ =	shalt  }
0x5e: {  	_ =	shalt  }
0x5f: {  	_ =	shalt  }
0x60: {  	_ =	shalt  }
0x61: {  	_ =	shalt  }
0x62: {  	_ =	shalt  }
0x63: {  	_ =	shalt  }
0x64: {  	_ =	shalt  }
0x65: {  	_ =	shalt  }
0x66: {  	_ =	shalt  }
0x67: {  	_ =	shalt  }
0x68: {  	_ =	shalt  }
0x69: {  	_ =	shalt  }
0x6a: {  	_ =	shalt  }
0x6b: {  	_ =	shalt  }
0x6c: {  	_ =	shalt  }
0x6d: {  	_ =	shalt  }
0x6e: {  	_ =	shalt  }
0x6f: {  	_ =	shalt  }
0x70: {  	_ =	shalt  }
0x71: {  	_ =	shalt  }
0x72: {  	_ =	shalt  }
0x73: {  	_ =	shalt  }
0x74: {  	_ =	shalt  }
0x75: {  	_ =	shalt  }
0x76: {  	_ =	shalt  }
0x77: {  	_ =	shalt  }
0x78: {  	_ =	shalt  }
0x79: {  	_ =	shalt  }
0x7a: {  	_ =	shalt  }
0x7b: {  	_ =	shalt  }
0x7c: {  	_ =	shalt  }
0x7d: {  	_ =	shalt  }
0x7e: {  	_ =	shalt  }
0x7f: {  	_ =	shalt  }
0x80: {  	_ =	shalt  }
0x81: {  	_ =	shalt  }
0x82: {  	_ =	shalt  }
0x83: {  	_ =	shalt  }
0x84: {  	_ =	shalt  }
0x85: {  	_ =	shalt  }
0x86: {  	_ =	shalt  }
0x87: {  	_ =	shalt  }
.Lfunc_end0:
.L_simem_size_0:
called_computation.1_lowered:
.L_overlay_start_0:
0x88: {  	s2 =	sld [smem:$0x3FD9]  }
0x89: {  	s3 =	sld [smem:$0x3FFE];
	_ =	sdelay $0x1  }
0x8a: {  	s1 =	srdreg.scid  }
0x8b: {  	s0 =	sand.u32 $0x1, s1  }
0x8c: {  	s17 =	sshll.u32 s0, $0xA;
	s2 =	sadd.s32 s3, s2  }
0x8d: {  	s2 =	sadd.s32 s2, s17  }
0x8e: {  	[smem:$0x3FC7] =	sst s2  }
0x8f: {  	_ = 	snop  }
0x90: {  	s2 =	sld [smem:$0x3FC9]  }
0x91: {  	s18 =	sld [smem:$0x3FD0];
	(tm) =	ssettm $0x1  }
0x92: {  	s4 =	sld [smem:$0x3FFB];
	_ =	sdelay $0x3  }
0x93: {  	_ =	strace s4  }
0x94: {  	s4 =	sld [smem:$0x3FFC];
	_ =	sdelay $0x3  }
0x95: {  	_ =	strace s4  }
0x96: {  	s4 =	sld [smem:$0x3FFD];
	_ =	sdelay $0x3  }
0x97: {  	_ =	strace s4  }
0x98: {  	_ =	strace $0x8FFFFFFF  }
0x99: {  	s19 =	sld [smem:$0x3FDB];
	_ =	sdelay $0x1  }
0x9a: {  	s5 =	simm.s32 $_scs_section_size  }
0x9b: {  	s6 =	simm.s32 $_size__tile_overlayer_lowered;
	s7 =	simm.s32 $_tile_overlayer_lowered  }
0x9c: {  	s22 =	simm.s32 $0x1BFF;
	s21 =	sshll.u32 s7, $0x1;
	s4 =	sadd.s32 s5, s19  }
0x9d: {  	s8 =	simm.s32 $0x0;
	s20 =	sshll.u32 s6, $0x1;
	s6 =	sadd.s32 s21, s4  }
0x9e: {  	[timem:s8], [sflag:s22] =	dma.local [hbm:s6], s20  }
0x9f: {  	_ =	swait.ge [sflag:s22], s20  }
0xa0: {  	s5 =	ssub.s32 $0x0, s20;
	[sflag:s22] =	ssyncset.done $0x0  }
0xa1: {  	[sflag:s22] =	ssyncadd.s32 s5;
	_ =	sdelay $0x1  }
0xa2: {  	s23 =	simm.s32 $0x1B8B  }
0xa3: {  	_ =	swait.ge [sflag:s23], $0x1  }
0xa4: {  	[sflag:s23] =	ssyncset.done $0x0  }
0xa5: {  	s25 =	simm.s32 $0x1B8E;
	s24 =	sld [smem:$0x3FFE];
	[sflag:s23] =	ssyncadd.s32 $0xFFFFFFFF  }
0xa6: {  	s26 =	simm.s32 $execute0_lowered;
	[smem:$0x3FD2] =	sst s25  }
0xa7: {  	s6 =	sshll.u32 s26, $0x1;
	_ =	strace $0x80000049;
	[dreg:$0x1] =	wrdreg $0xFFFFFFFF  }
0xa8: {  	s28 =	simm.s32 $_size_execute0_lowered;
	s4 =	sadd.s32 s4, s6;
	[dreg:$0x0] =	wrdreg $0x0  }
0xa9: {  	s6 =	sshll.u32 s28, $0x1;
	[dreg:$0x2] =	wrdreg s4  }
0xaa: {  	[dreg:$0x3] =	wrdreg s6  }
0xab: {  	[dreg:$0x4] =	wrdreg $0xC0  }
0xac: {  	_ =	task [dreg:s8], $0x5FFFF  }
0xad: {  	[dreg:$0x1] =	wrdreg $0xFFFFFFFF  }
0xae: {  	[dreg:$0x0] =	wrdreg $0x60  }
0xaf: {  	[dreg:$0x2] =	wrdreg s2  }
0xb0: {  	[dreg:$0x3] =	wrdreg s24  }
0xb1: {  	[dreg:$0x4] =	wrdreg s18  }
0xb2: {  	[dreg:$0x5] =	wrdreg $0x9  }
0xb3: {  	_ =	task.clear_ibuf [dreg:s8], $0x6FFFF;
	_ =	strace $0x90000049  }
0xb4: {  	s29 =	simm.s32 $0x9;
	_ =	strace $0x8000004B  }
0xb5: {  	_ =	swait.ge [sflag:s29], $0x1  }
0xb6: {  	[sflag:s29] =	ssyncadd.s32 $0xFFFFFFFF  }
0xb7: {  	_ =	strace $0x9000004B  }
0xb8: {  	_ =	sfence  }
0xb9: {  	s30 =	sld [smem:$0x0];
	_ =	sdelay $0x2  }
0xba: {  	s31 =	sshll.u32 s1, $0xD;
	s1 =	sshrl.u32 s1, $0x2  }
0xbb: {  	s3 =	sand.u32 $0x4000, s31;
	s1 =	sadd.s32 s1, s30  }
0xbc: {  	s0 =	sor.u32 s3, s0;
	s1 =	sshll.u32 s1, $0x11  }
0xbd: {  	s0 =	sor.u32 s1, s0  }
0xbe: {  	s0 =	sadd.s32 $0x8F2B, s0  }
0xbf: {  	[sflag:s0] =	ssyncadd.remote.s32 $0x1  }
0xc0: {  	_ =	sfence.sel $0xFFFF  }
0xc1: {  	[dreg:$0x0] =	wrdreg $0xFFFFFFFF;
	(pc) =	sbr.abs _section_cstart, $3  }
0xc2: {  	[dreg:$0x1] =	wrdreg $0xFFFFFFFF  }
0xc3: {  	_ =	task.clear_ibuf [dreg:s8], $0x2FFFF;
	_ =	strace $0x9FFFFFFF  }
0xc4: {  	(tm) =	ssettm $0x7FFFFFFF  }
0xc5: {  	_ =	shalt  }
tec
execute0_lowered:
.L_overlay_start_1:
0x0: {  	(tag) =	ssettag $0x1  }
0x1: {  	s4 =	rddreg [dreg:$0x0]  }
0x2: {  	s3 =	rddreg [dreg:$0x1]  }
0x3: {  	s7 =	rddreg [dreg:$0x2]  }
0x4: {  	s0 =	rddreg [dreg:$0x3]  }
0x5: {  	s5 =	srdreg.scid;
	s1 =	stileid.u32  }
0x6: {  	s2 =	simm.s32 $0x0;
	s10 =	simm.s32 $0x18000;
	s11 =	simm.s32 $0x3  }
0x7: {  	s12 =	simm.s32 $0x4000;
	s13 =	simm.s32 $0x1;
	s14 =	simm.s32 $0x2  }
0x8: {  	s15 =	simm.s32 $0x0;
	s5 =	sand.u32 $0x1, s5;
	s6 =	sshll.u32 s1, $0x1  }
0x9: {  	[smem:$0x7FF] =	sst s2;
	s3 =	sadd.s32 $0x1200, s3;
	s8 =	ssub.s32 $0x2, s5  }
0xa: {  	v0 =	vlaneseq.u32;
	s9 =	sor.u32 s5, s6;
	_ =	strace $0x8000004A;
	s31 =	sshrl.u32 s8, $0x1  }
0xb: {  	v1 =	vimm.s32 $0x0;
	v9 =	vimm.s32 $0x1;
	v2 =	vor.u32 $0x10, v0;
	s6 =	sshll.u32 s9, $0xF;
	s9 =	sshll.u32 s9, $0xD;
	s8 =	ssub.s32 s8, s31  }
0xc: {  	v3 =	vor.u32 $0x20, v0;
	v4 =	vor.u32 $0x30, v0;
	v5 =	vor.u32 $0x40, v0;
	s4 =	sadd.s32 s4, s6;
	s7 =	sadd.s32 s7, s9;
	s9 =	simm.s32 $0x8000  }
0xd: {  	v6 =	vor.u32 $0x50, v0;
	v7 =	vor.u32 $0x60, v0;
	v8 =	vor.u32 $0x70, v0;
	s5 =	sadd.s32 $0x800, s4;
	s6 =	sadd.s32 $0x1000, s4;
	s8 =	smax.u32 s8, $0x1  }
.LBB2_1:
0xe: {  	s16 =	simm.s32 $0x0  }
0xf: {  	s17 =	simm.s32 $0x80;
	s19 =	simm.s32 $0x180;
	v20 =	vor.u32 s16, v0;
	v11 =	vor.u32 s16, v2;
	v10 =	vor.u32 s16, v3  }
0x10: {  	v13 =	vor.u32 s17, v0;
	v12 =	vor.u32 s17, v2;
	v28 =	vor.u32 s19, v0  }
0x11: {  	v15 =	vor.u32 s17, v3;
	v14 =	vor.u32 s17, v4;
	v24 =	vor.u32 s19, v2  }
0x12: {  	[tilespmem:s2], [sflag:$0x1] =	stream.linear.gather [hbm4b:s4+s2], $0x4000, $0x38;
	v17 =	vor.u32 s17, v5;
	v16 =	vor.u32 s17, v6;
	v25 =	vor.u32 s19, v3;
	[tilespmem:$0x18080] =	vst v63  }
0x13: {  	s18 =	simm.s32 $0x100;
	v19 =	vor.u32 s17, v7;
	v18 =	vor.u32 s17, v8;
	v26 =	vor.u32 s19, v4  }
0x14: {  	v23 =	vor.u32 s18, v0;
	v27 =	vor.u32 s19, v5;
	v22 =	vor.u32 s18, v3;
	[tilespmem:v20+s9+$0x0] =	vst.idx.msk $0xffff, v1  }
0x15: {  	v21 =	vor.u32 s18, v4;
	s17 =	simm.s32 $0x4;
	v20 =	vor.u32 s18, v2;
	[tilespmem:v28+s9+$0x0] =	vst.idx.msk $0xffff, v1;
	v28 =	vor.u32 s19, v6  }
.LBB2_2:
0x16: {  	p0 =	slt.u32 s17, $0x1FC;
	v29 =	vor.u32 s18, v5;
	v30 =	vor.u32 s18, v6;
	[tilespmem:v24+s9+$0x0] =	vst.idx.msk $0xffff, v1;
	v24 =	vor.u32 s19, v7  }
0x17: {  	v31 =	vor.u32 s18, v7;
	v32 =	vor.u32 s18, v8;
	[tilespmem:v25+s9+$0x0] =	vst.idx.msk $0xffff, v1;
	v25 =	vor.u32 s19, v8  }
0x18: {  	v33 =	vor.u32 s16, v4;
	v34 =	vor.u32 s16, v5;
	v35 =	vor.u32 s16, v6;
	[tilespmem:v26+s9+$0x0] =	vst.idx.msk $0xffff, v1  }
0x19: {  	v36 =	vor.u32 s16, v8;
	v26 =	vor.u32 s16, v7;
	[tilespmem:v27+s9+$0x0] =	vst.idx.msk $0xffff, v1  }
0x1a: {  	[tilespmem:v28+s9+$0x0] =	vst.idx.msk $0xffff, v1  }
0x1b: {  	[tilespmem:v24+s9+$0x0] =	vst.idx.msk $0xffff, v1  }
0x1c: {  	[tilespmem:v25+s9+$0x0] =	vst.idx.msk $0xffff, v1  }
0x1d: {  	[tilespmem:v13+s9+$0x0] =	vst.idx.msk $0xffff, v1  }
0x1e: {  	[tilespmem:v12+s9+$0x0] =	vst.idx.msk $0xffff, v1  }
0x1f: {  	[tilespmem:v15+s9+$0x0] =	vst.idx.msk $0xffff, v1  }
0x20: {  	[tilespmem:v14+s9+$0x0] =	vst.idx.msk $0xffff, v1  }
0x21: {  	[tilespmem:v17+s9+$0x0] =	vst.idx.msk $0xffff, v1  }
0x22: {  	[tilespmem:v16+s9+$0x0] =	vst.idx.msk $0xffff, v1  }
0x23: {  	[tilespmem:v19+s9+$0x0] =	vst.idx.msk $0xffff, v1  }
0x24: {  	[tilespmem:v18+s9+$0x0] =	vst.idx.msk $0xffff, v1  }
0x25: {  	[tilespmem:v23+s9+$0x0] =	vst.idx.msk $0xffff, v1  }
0x26: {  	[tilespmem:v20+s9+$0x0] =	vst.idx.msk $0xffff, v1  }
0x27: {  	[tilespmem:v22+s9+$0x0] =	vst.idx.msk $0xffff, v1  }
0x28: {  	[tilespmem:v21+s9+$0x0] =	vst.idx.msk $0xffff, v1  }
0x29: {  	[tilespmem:v29+s9+$0x0] =	vst.idx.msk $0xffff, v1  }
0x2a: {  	[tilespmem:v30+s9+$0x0] =	vst.idx.msk $0xffff, v1  }
0x2b: {  	[tilespmem:v31+s9+$0x0] =	vst.idx.msk $0xffff, v1  }
0x2c: {  	[tilespmem:v32+s9+$0x0] =	vst.idx.msk $0xffff, v1  }
0x2d: {  	[tilespmem:v11+s9+$0x0] =	vst.idx.msk $0xffff, v1  }
0x2e: {  	s16 =	sshll.u32 s17, $0x7;
	[tilespmem:v10+s9+$0x0] =	vst.idx.msk $0xffff, v1  }
0x2f: {  	s20 =	sadd.s32 $0x80, s16;
	s18 =	sadd.s32 $0x100, s16;
	s19 =	sadd.s32 $0x180, s16;
	v20 =	vor.u32 s16, v0;
	v11 =	vor.u32 s16, v2;
	v10 =	vor.u32 s16, v3;
	[tilespmem:v33+s9+$0x0] =	vst.idx.msk $0xffff, v1  }
0x30: {  	v28 =	vor.u32 s19, v0;
	v13 =	vor.u32 s20, v0;
	v12 =	vor.u32 s20, v2;
	[tilespmem:v34+s9+$0x0] =	vst.idx.msk $0xffff, v1  }
.Ltmp0:
0x31: {  	v24 =	vor.u32 s19, v2;
	v15 =	vor.u32 s20, v3;
	v14 =	vor.u32 s20, v4;
	[tilespmem:v35+s9+$0x0] =	vst.idx.msk $0xffff, v1;
	(pc) =	sbr.rel @p0 .LBB2_2-.Ltmp0, $4  }
0x32: {  	v25 =	vor.u32 s19, v3;
	v17 =	vor.u32 s20, v5;
	v16 =	vor.u32 s20, v6;
	[tilespmem:v26+s9+$0x0] =	vst.idx.msk $0xffff, v1  }
0x33: {  	v19 =	vor.u32 s20, v7;
	v18 =	vor.u32 s20, v8;
	v26 =	vor.u32 s19, v4;
	[tilespmem:v36+s9+$0x0] =	vst.idx.msk $0xffff, v1  }
0x34: {  	v27 =	vor.u32 s19, v5;
	v23 =	vor.u32 s18, v0;
	[tilespmem:v20+s9+$0x0] =	vst.idx.msk $0xffff, v1;
	v20 =	vor.u32 s18, v2  }
0x35: {  	s17 =	sadd.s32 $0x4, s17;
	v22 =	vor.u32 s18, v3;
	v21 =	vor.u32 s18, v4;
	[tilespmem:v28+s9+$0x0] =	vst.idx.msk $0xffff, v1;
	v28 =	vor.u32 s19, v6  }
0x36: {  	_ =	sdelay $0x3  }
0x37: {  	[tilespmem:v24+s9+$0x0] =	vst.idx.msk $0xffff, v1  }
0x38: {  	[tilespmem:v13+s9+$0x0] =	vst.idx.msk $0xffff, v1  }
0x39: {  	[tilespmem:v23+s9+$0x0] =	vst.idx.msk $0xffff, v1  }
0x3a: {  	[tilespmem:v11+s9+$0x0] =	vst.idx.msk $0xffff, v1  }
0x3b: {  	[tilespmem:v25+s9+$0x0] =	vst.idx.msk $0xffff, v1  }
0x3c: {  	[tilespmem:v12+s9+$0x0] =	vst.idx.msk $0xffff, v1  }
0x3d: {  	[tilespmem:v20+s9+$0x0] =	vst.idx.msk $0xffff, v1  }
0x3e: {  	[tilespmem:v10+s9+$0x0] =	vst.idx.msk $0xffff, v1  }
0x3f: {  	[tilespmem:v26+s9+$0x0] =	vst.idx.msk $0xffff, v1  }
0x40: {  	[tilespmem:v15+s9+$0x0] =	vst.idx.msk $0xffff, v1  }
0x41: {  	[tilespmem:v22+s9+$0x0] =	vst.idx.msk $0xffff, v1  }
0x42: {  	v54 =	vor.u32 s19, v7;
	[tilespmem:v27+s9+$0x0] =	vst.idx.msk $0xffff, v1  }
0x43: {  	[tilespmem:v14+s9+$0x0] =	vst.idx.msk $0xffff, v1  }
0x44: {  	v56 =	vor.u32 s18, v5;
	[tilespmem:v21+s9+$0x0] =	vst.idx.msk $0xffff, v1  }
0x45: {  	v60 =	vor.u32 s16, v4;
	[tilespmem:v28+s9+$0x0] =	vst.idx.msk $0xffff, v1  }
0x46: {  	v55 =	vor.u32 s19, v8;
	[tilespmem:v17+s9+$0x0] =	vst.idx.msk $0xffff, v1  }
0x47: {  	[tilespmem:v54+s9+$0x0] =	vst.idx.msk $0xffff, v1  }
0x48: {  	v57 =	vor.u32 s18, v6;
	[tilespmem:v16+s9+$0x0] =	vst.idx.msk $0xffff, v1  }
0x49: {  	v61 =	vor.u32 s16, v5;
	[tilespmem:v56+s9+$0x0] =	vst.idx.msk $0xffff, v1  }
0x4a: {  	[tilespmem:v60+s9+$0x0] =	vst.idx.msk $0xffff, v1  }
0x4b: {  	v58 =	vor.u32 s18, v7;
	[tilespmem:v55+s9+$0x0] =	vst.idx.msk $0xffff, v1  }
0x4c: {  	v62 =	vor.u32 s16, v6;
	[tilespmem:v19+s9+$0x0] =	vst.idx.msk $0xffff, v1  }
0x4d: {  	v59 =	vor.u32 s18, v8;
	[tilespmem:v57+s9+$0x0] =	vst.idx.msk $0xffff, v1  }
0x4e: {  	v63 =	vor.u32 s16, v7;
	[tilespmem:v61+s9+$0x0] =	vst.idx.msk $0xffff, v1  }
0x4f: {  	v11 =	vor.u32 s16, v8;
	[tilespmem:v18+s9+$0x0] =	vst.idx.msk $0xffff, v1  }
0x50: {  	[tilespmem:v58+s9+$0x0] =	vst.idx.msk $0xffff, v1  }
0x51: {  	[tilespmem:v62+s9+$0x0] =	vst.idx.msk $0xffff, v1  }
0x52: {  	[tilespmem:v59+s9+$0x0] =	vst.idx.msk $0xffff, v1  }
0x53: {  	[tilespmem:v63+s9+$0x0] =	vst.idx.msk $0xffff, v1  }
0x54: {  	s16 =	simm.s32 $0x0;
	[tilespmem:v11+s9+$0x0] =	vst.idx.msk $0xffff, v1  }
0x55: {  	[tilespmem:s10], [sflag:$0x3] =	stream.linear.gather [hbm4b:s3+s16], $0x80, $0x38;
	[tilespmem:$0x18080] =	vst v63  }
0x56: {  	_ =	swait.ge [sflag:s11], $0x80  }
0x57: {  	[sflag:s11] =	ssyncset.done $0x0  }
0x58: {  	[sflag:s11] =	ssyncadd.s32 $0xFFFFFF80  }
0x59: {  	v10 =	vld [tilespmem:$0x18000]  }
0x5a: {  	v11 =	vld [tilespmem:$0x18010];
	_ =	sdelay $0x1  }
0x5b: {  	s17 =	simm.s32 $0x0  }
.LBB2_4:
0x5c: {  	s18 =	sshll.u32 s17, $0xC  }
0x5d: {  	s19 =	sadd.s32 s18, s5  }
0x5e: {  	[tilespmem:s12], [sflag:$0x2] =	stream.linear.gather [hbm4b:s19+s16], $0x4000, $0x38;
	[tilespmem:$0x18080] =	vst v63  }
0x5f: {  	s19 =	simm.s32 $0x0;
	_ =	swait.ge [sflag:s13], $0x4000  }
0x60: {  	s20 =	sand.u32 $0x3C00, s16;
	s21 =	sand.u32 $0x380, s19;
	[sflag:s13] =	ssyncset.done $0x0  }
0x61: {  	s20 =	sor.u32 s21, s20;
	[sflag:s13] =	ssyncadd.s32 $0xFFFFC000  }
0x62: {  	v12 =	vld [tilespmem:s20+$0x0];
	_ =	sdelay $0x3  }
0x63: {  	v17 =	vld [tilespmem:s20+$0x70]  }
0x64: {  	v13 =	vshrl.u32 v12, $0xF  }
0x65: {  	v13 =	vand.u32 $0xFFFF, v13  }
0x66: {  	vm0 =	veq.s32 v13, v10  }
0x67: {  	v15 =	vld [tilespmem:s20+$0x10];
	v18 =	vand.u32 $0x7FFF, v12  }
0x68: {  	v14 =	vld [tilespmem:s20+$0x30];
	v16 =	vshrl.u32 v17, $0xF;
	vm2 =	veq.s32 v13, v11  }
0x69: {  	v20 =	vor.u32 $0x8000, v18;
	v19 =	vand.u32 $0xFFFF, v16;
	v13 =	vld [tilespmem:s20+$0x50]  }
0x6a: {  	v16 =	vld [tilespmem:s20+$0x20];
	vm3 =	veq.s32 v19, v10  }
0x6b: {  	v12 =	vld [tilespmem:s20+$0x60];
	v17 =	vand.u32 $0x7FFF, v17;
	vm1 =	veq.s32 v19, v11  }
0x6c: {  	v21 =	vshrl.u32 v15, $0xF;
	[tilespmem:v18+s9+$0x0] =	vst.idx.add.s32.msk vm0, v9;
	v18 =	vor.u32 $0x8000, v17  }
0x6d: {  	v21 =	vand.u32 $0xFFFF, v21  }
0x6e: {  	s21 =	simm.s32 $0x0;
	v19 =	vshrl.u32 v13, $0xF;
	vm0 =	veq.s32 v21, v11;
	[tilespmem:v20+s9+$0x0] =	vst.idx.add.s32.msk vm2, v9;
	vm2 =	veq.s32 v21, v10  }
.LBB2_5:
0x6f: {  	s19 =	sadd.s32 $0x8, s19;
	v15 =	vand.u32 $0x7FFF, v15;
	v20 =	vshrl.u32 v16, $0xF;
	v21 =	vld [tilespmem:s20+$0x40];
	v19 =	vand.u32 $0xFFFF, v19;
	s21 =	sadd.s32 $0x400, s21  }
0x70: {  	s20 =	sand.u32 $0x3C00, s21;
	s22 =	sand.u32 $0x380, s19;
	p0 =	slt.u32 s19, $0x3F8;
	v22 =	vor.u32 $0x8000, v15;
	v20 =	vand.u32 $0xFFFF, v20;
	vm4 =	veq.s32 v19, v10;
	[tilespmem:v17+s9+$0x0] =	vst.idx.add.s32.msk vm3, v9  }
0x71: {  	v23 =	vshrl.u32 v12, $0xF;
	v17 =	vshrl.u32 v14, $0xF;
	s20 =	sor.u32 s22, s20;
	vm3 =	veq.s32 v20, v11;
	[tilespmem:v18+s9+$0x0] =	vst.idx.add.s32.msk vm1, v9  }
0x72: {  	v16 =	vand.u32 $0x7FFF, v16;
	v24 =	vand.u32 $0x7FFF, v13;
	v23 =	vand.u32 $0xFFFF, v23;
	v18 =	vld [tilespmem:s20+$0x70]  }
0x73: {  	vm6 =	veq.s32 v20, v10;
	v20 =	vand.u32 $0x7FFF, v14;
	vm1 =	veq.s32 v23, v10;
	v25 =	vld [tilespmem:s20+$0x0]  }
0x74: {  	v14 =	vor.u32 $0x8000, v16;
	v17 =	vand.u32 $0xFFFF, v17;
	v26 =	vor.u32 $0x8000, v20;
	[tilespmem:v15+s9+$0x0] =	vst.idx.add.s32.msk vm2, v9  }
0x75: {  	vm5 =	veq.s32 v23, v11;
	v27 =	vshrl.u32 v21, $0xF;
	vm2 =	veq.s32 v19, v11;
	v13 =	vld [tilespmem:s20+$0x50]  }
0x76: {  	v23 =	vand.u32 $0x7FFF, v12;
	vm7 =	veq.s32 v17, v11;
	v19 =	vand.u32 $0xFFFF, v27;
	v15 =	vld [tilespmem:s20+$0x10]  }
0x77: {  	vm8 =	veq.s32 v19, v10;
	[tilespmem:v22+s9+$0x0] =	vst.idx.add.s32.msk vm0, v9;
	vm0 =	veq.s32 v17, v10;
	v17 =	vand.u32 $0x7FFF, v21  }
0x78: {  	vm9 =	veq.s32 v19, v11;
	v19 =	vor.u32 $0x8000, v23;
	v21 =	vshrl.u32 v25, $0xF;
	v12 =	vld [tilespmem:s20+$0x60]  }
0x79: {  	v22 =	vor.u32 $0x8000, v24;
	v21 =	vand.u32 $0xFFFF, v21;
	[tilespmem:v16+s9+$0x0] =	vst.idx.add.s32.msk vm6, v9;
	v16 =	vor.u32 $0x8000, v17  }
0x7a: {  	[tilespmem:v14+s9+$0x0] =	vst.idx.add.s32.msk vm3, v9  }
0x7b: {  	vm6 =	veq.s32 v21, v10;
	[tilespmem:v24+s9+$0x0] =	vst.idx.add.s32.msk vm4, v9  }
0x7c: {  	v24 =	vand.u32 $0x7FFF, v25;
	vm4 =	veq.s32 v21, v11;
	v14 =	vld [tilespmem:s20+$0x30]  }
0x7d: {  	v21 =	vor.u32 $0x8000, v24;
	[tilespmem:v20+s9+$0x0] =	vst.idx.add.s32.msk vm0, v9  }
0x7e: {  	[tilespmem:v26+s9+$0x0] =	vst.idx.add.s32.msk vm7, v9  }
0x7f: {  	v20 =	vshrl.u32 v18, $0xF;
	[tilespmem:v17+s9+$0x0] =	vst.idx.add.s32.msk vm8, v9  }
0x80: {  	v20 =	vand.u32 $0xFFFF, v20;
	[tilespmem:v23+s9+$0x0] =	vst.idx.add.s32.msk vm1, v9  }
0x81: {  	[tilespmem:v16+s9+$0x0] =	vst.idx.add.s32.msk vm9, v9  }
.Ltmp1:
0x82: {  	vm3 =	veq.s32 v20, v10;
	v16 =	vld [tilespmem:s20+$0x20];
	(pc) =	sbr.rel @p0 .LBB2_5-.Ltmp1, $4  }
0x83: {  	v17 =	vand.u32 $0x7FFF, v18;
	vm1 =	veq.s32 v20, v11;
	[tilespmem:v19+s9+$0x0] =	vst.idx.add.s32.msk vm5, v9  }
0x84: {  	v18 =	vor.u32 $0x8000, v17;
	v19 =	vshrl.u32 v15, $0xF;
	[tilespmem:v24+s9+$0x0] =	vst.idx.add.s32.msk vm6, v9  }
0x85: {  	v20 =	vand.u32 $0xFFFF, v19;
	v19 =	vshrl.u32 v13, $0xF;
	[tilespmem:v22+s9+$0x0] =	vst.idx.add.s32.msk vm2, v9  }
0x86: {  	vm2 =	veq.s32 v20, v10;
	vm0 =	veq.s32 v20, v11;
	[tilespmem:v21+s9+$0x0] =	vst.idx.add.s32.msk vm4, v9  }
0x87: {  	_ =	sdelay $0x3  }
0x88: {  	v20 =	vshrl.u32 v16, $0xF;
	v21 =	vld [tilespmem:s20+$0x40];
	v15 =	vand.u32 $0x7FFF, v15  }
0x89: {  	v19 =	vand.u32 $0xFFFF, v19;
	v16 =	vand.u32 $0x7FFF, v16;
	[tilespmem:v17+s9+$0x0] =	vst.idx.add.s32.msk vm3, v9;
	v17 =	vshrl.u32 v12, $0xF  }
0x8a: {  	v20 =	vand.u32 $0xFFFF, v20;
	v22 =	vor.u32 $0x8000, v15;
	vm4 =	veq.s32 v19, v10  }
0x8b: {  	v13 =	vand.u32 $0x7FFF, v13;
	v17 =	vand.u32 $0xFFFF, v17;
	vm5 =	veq.s32 v20, v10  }
0x8c: {  	vm6 =	veq.s32 v20, v11;
	v20 =	vshrl.u32 v14, $0xF;
	vm3 =	veq.s32 v17, v10  }
0x8d: {  	v12 =	vand.u32 $0x7FFF, v12;
	[tilespmem:v18+s9+$0x0] =	vst.idx.add.s32.msk vm1, v9;
	v20 =	vand.u32 $0xFFFF, v20  }
0x8e: {  	v23 =	vor.u32 $0x8000, v16;
	vm1 =	veq.s32 v20, v10;
	v18 =	vshrl.u32 v21, $0xF;
	[tilespmem:v15+s9+$0x0] =	vst.idx.add.s32.msk vm2, v9  }
0x8f: {  	v14 =	vand.u32 $0x7FFF, v14;
	vm2 =	veq.s32 v20, v11;
	v15 =	vand.u32 $0xFFFF, v18;
	[tilespmem:v22+s9+$0x0] =	vst.idx.add.s32.msk vm0, v9  }
0x90: {  	v18 =	vor.u32 $0x8000, v14;
	vm0 =	veq.s32 v15, v10;
	[tilespmem:v13+s9+$0x0] =	vst.idx.add.s32.msk vm4, v9  }
0x91: {  	vm15 =	veq.s32 v17, v11;
	v20 =	vand.u32 $0x7FFF, v21;
	[tilespmem:v16+s9+$0x0] =	vst.idx.add.s32.msk vm5, v9  }
0x92: {  	vm4 =	veq.s32 v19, v11;
	v16 =	vor.u32 $0x8000, v12;
	[tilespmem:v12+s9+$0x0] =	vst.idx.add.s32.msk vm3, v9  }
0x93: {  	v13 =	vor.u32 $0x8000, v13;
	vm5 =	veq.s32 v15, v11;
	[tilespmem:v23+s9+$0x0] =	vst.idx.add.s32.msk vm6, v9  }
0x94: {  	v15 =	vor.u32 $0x8000, v20;
	[tilespmem:v14+s9+$0x0] =	vst.idx.add.s32.msk vm1, v9  }
0x95: {  	[tilespmem:v18+s9+$0x0] =	vst.idx.add.s32.msk vm2, v9  }
0x96: {  	[tilespmem:v20+s9+$0x0] =	vst.idx.add.s32.msk vm0, v9  }
0x97: {  	[tilespmem:v16+s9+$0x0] =	vst.idx.add.s32.msk vm15, v9  }
0x98: {  	p0 =	seq.s32 s17, $0x7;
	[tilespmem:v13+s9+$0x0] =	vst.idx.add.s32.msk vm4, v9  }
0x99: {  	s18 =	sadd.s32 @!p0 s18, s6;
	s19 =	simm.s32 @!p0 $0x0;
	[tilespmem:v15+s9+$0x0] =	vst.idx.add.s32.msk vm5, v9  }
0x9a: {  	[tilespmem:s19], [sflag:$0x1] =	stream.linear.gather @!p0 [hbm4b:s18+s19], $0x4000, $0x38;
	[tilespmem:$0x18080] =	vst v63  }
0x9b: {  	s18 =	simm.s32 $0x0;
	s19 =	simm.s32 $0x0;
	_ =	swait.ge [sflag:s14], $0x4000  }
0x9c: {  	s31 =	sand.u32 $0x3C00, s18;
	s21 =	sand.u32 $0x380, s19;
	[sflag:s14] =	ssyncset.done $0x0  }
0x9d: {  	s20 =	sor.u32 s21, s31;
	[sflag:s14] =	ssyncadd.s32 $0xFFFFC000  }
0x9e: {  	v12 =	vld [tilespmem:s20+$0x4000];
	_ =	sdelay $0x3  }
0x9f: {  	v17 =	vld [tilespmem:s20+$0x4070]  }
0xa0: {  	v13 =	vshrl.u32 v12, $0xF  }
0xa1: {  	v13 =	vand.u32 $0xFFFF, v13  }
0xa2: {  	vm0 =	veq.s32 v13, v10  }
0xa3: {  	v15 =	vld [tilespmem:s20+$0x4010];
	v18 =	vand.u32 $0x7FFF, v12  }
0xa4: {  	v14 =	vld [tilespmem:s20+$0x4030];
	v16 =	vshrl.u32 v17, $0xF;
	vm2 =	veq.s32 v13, v11  }
0xa5: {  	v20 =	vor.u32 $0x8000, v18;
	v19 =	vand.u32 $0xFFFF, v16;
	v13 =	vld [tilespmem:s20+$0x4050]  }
0xa6: {  	v16 =	vld [tilespmem:s20+$0x4020];
	vm3 =	veq.s32 v19, v10  }
0xa7: {  	v12 =	vld [tilespmem:s20+$0x4060];
	v17 =	vand.u32 $0x7FFF, v17;
	vm1 =	veq.s32 v19, v11  }
0xa8: {  	v63 =	vshrl.u32 v15, $0xF;
	[tilespmem:v18+s9+$0x0] =	vst.idx.add.s32.msk vm0, v9;
	v18 =	vor.u32 $0x8000, v17  }
0xa9: {  	v21 =	vand.u32 $0xFFFF, v63  }
0xaa: {  	v19 =	vshrl.u32 v13, $0xF;
	vm0 =	veq.s32 v21, v11;
	[tilespmem:v20+s9+$0x0] =	vst.idx.add.s32.msk vm2, v9;
	vm2 =	veq.s32 v21, v10  }
.LBB2_7:
0xab: {  	s19 =	sadd.s32 $0x8, s19;
	v15 =	vand.u32 $0x7FFF, v15;
	v20 =	vshrl.u32 v16, $0xF;
	v21 =	vld [tilespmem:s20+$0x4040];
	v19 =	vand.u32 $0xFFFF, v19;
	s18 =	sadd.s32 $0x400, s18  }
0xac: {  	s20 =	sand.u32 $0x3C00, s18;
	s21 =	sand.u32 $0x380, s19;
	p0 =	slt.u32 s19, $0x3F8;
	v22 =	vor.u32 $0x8000, v15;
	v20 =	vand.u32 $0xFFFF, v20;
	vm4 =	veq.s32 v19, v10;
	[tilespmem:v17+s9+$0x0] =	vst.idx.add.s32.msk vm3, v9  }
0xad: {  	v23 =	vshrl.u32 v12, $0xF;
	v17 =	vshrl.u32 v14, $0xF;
	s20 =	sor.u32 s21, s20;
	vm3 =	veq.s32 v20, v11;
	[tilespmem:v18+s9+$0x0] =	vst.idx.add.s32.msk vm1, v9  }
0xae: {  	v16 =	vand.u32 $0x7FFF, v16;
	v24 =	vand.u32 $0x7FFF, v13;
	v23 =	vand.u32 $0xFFFF, v23;
	v18 =	vld [tilespmem:s20+$0x4070]  }
0xaf: {  	vm6 =	veq.s32 v20, v10;
	v20 =	vand.u32 $0x7FFF, v14;
	vm1 =	veq.s32 v23, v10;
	v25 =	vld [tilespmem:s20+$0x4000]  }
0xb0: {  	v14 =	vor.u32 $0x8000, v16;
	v17 =	vand.u32 $0xFFFF, v17;
	v26 =	vor.u32 $0x8000, v20;
	[tilespmem:v15+s9+$0x0] =	vst.idx.add.s32.msk vm2, v9  }
0xb1: {  	vm5 =	veq.s32 v23, v11;
	v27 =	vshrl.u32 v21, $0xF;
	vm2 =	veq.s32 v19, v11;
	v13 =	vld [tilespmem:s20+$0x4050]  }
0xb2: {  	v23 =	vand.u32 $0x7FFF, v12;
	vm7 =	veq.s32 v17, v11;
	v19 =	vand.u32 $0xFFFF, v27;
	v15 =	vld [tilespmem:s20+$0x4010]  }
0xb3: {  	vm8 =	veq.s32 v19, v10;
	[tilespmem:v22+s9+$0x0] =	vst.idx.add.s32.msk vm0, v9;
	vm0 =	veq.s32 v17, v10;
	v17 =	vand.u32 $0x7FFF, v21  }
0xb4: {  	vm9 =	veq.s32 v19, v11;
	v19 =	vor.u32 $0x8000, v23;
	v21 =	vshrl.u32 v25, $0xF;
	v12 =	vld [tilespmem:s20+$0x4060]  }
0xb5: {  	v22 =	vor.u32 $0x8000, v24;
	v21 =	vand.u32 $0xFFFF, v21;
	[tilespmem:v16+s9+$0x0] =	vst.idx.add.s32.msk vm6, v9;
	v16 =	vor.u32 $0x8000, v17  }
0xb6: {  	[tilespmem:v14+s9+$0x0] =	vst.idx.add.s32.msk vm3, v9  }
0xb7: {  	vm6 =	veq.s32 v21, v10;
	[tilespmem:v24+s9+$0x0] =	vst.idx.add.s32.msk vm4, v9  }
0xb8: {  	v24 =	vand.u32 $0x7FFF, v25;
	vm4 =	veq.s32 v21, v11;
	v14 =	vld [tilespmem:s20+$0x4030]  }
0xb9: {  	v21 =	vor.u32 $0x8000, v24;
	[tilespmem:v20+s9+$0x0] =	vst.idx.add.s32.msk vm0, v9  }
0xba: {  	[tilespmem:v26+s9+$0x0] =	vst.idx.add.s32.msk vm7, v9  }
0xbb: {  	v20 =	vshrl.u32 v18, $0xF;
	[tilespmem:v17+s9+$0x0] =	vst.idx.add.s32.msk vm8, v9  }
0xbc: {  	v20 =	vand.u32 $0xFFFF, v20;
	[tilespmem:v23+s9+$0x0] =	vst.idx.add.s32.msk vm1, v9  }
0xbd: {  	[tilespmem:v16+s9+$0x0] =	vst.idx.add.s32.msk vm9, v9  }
.Ltmp2:
0xbe: {  	vm3 =	veq.s32 v20, v10;
	v16 =	vld [tilespmem:s20+$0x4020];
	(pc) =	sbr.rel @p0 .LBB2_7-.Ltmp2, $4  }
0xbf: {  	v17 =	vand.u32 $0x7FFF, v18;
	vm1 =	veq.s32 v20, v11;
	[tilespmem:v19+s9+$0x0] =	vst.idx.add.s32.msk vm5, v9  }
0xc0: {  	v18 =	vor.u32 $0x8000, v17;
	v19 =	vshrl.u32 v15, $0xF;
	[tilespmem:v24+s9+$0x0] =	vst.idx.add.s32.msk vm6, v9  }
0xc1: {  	v20 =	vand.u32 $0xFFFF, v19;
	v19 =	vshrl.u32 v13, $0xF;
	[tilespmem:v22+s9+$0x0] =	vst.idx.add.s32.msk vm2, v9  }
0xc2: {  	vm2 =	veq.s32 v20, v10;
	vm0 =	veq.s32 v20, v11;
	[tilespmem:v21+s9+$0x0] =	vst.idx.add.s32.msk vm4, v9  }
0xc3: {  	_ =	sdelay $0x1  }
0xc4: {  	v20 =	vshrl.u32 v16, $0xF  }
0xc5: {  	v15 =	vand.u32 $0x7FFF, v15;
	v19 =	vand.u32 $0xFFFF, v19;
	v55 =	vshrl.u32 v12, $0xF  }
0xc6: {  	v21 =	vld [tilespmem:s20+$0x4040];
	v20 =	vand.u32 $0xFFFF, v20;
	v22 =	vor.u32 $0x8000, v15;
	vm4 =	veq.s32 v19, v10  }
0xc7: {  	[tilespmem:v17+s9+$0x0] =	vst.idx.add.s32.msk vm3, v9;
	v13 =	vand.u32 $0x7FFF, v13;
	v17 =	vand.u32 $0xFFFF, v55;
	vm5 =	veq.s32 v20, v10  }
0xc8: {  	v53 =	vshrl.u32 v14, $0xF;
	v54 =	vand.u32 $0x7FFF, v16;
	vm12 =	veq.s32 v17, v10  }
0xc9: {  	v61 =	vand.u32 $0x7FFF, v12;
	[tilespmem:v18+s9+$0x0] =	vst.idx.add.s32.msk vm1, v9;
	vm6 =	veq.s32 v20, v11;
	v20 =	vand.u32 $0xFFFF, v53  }
0xca: {  	v23 =	vor.u32 $0x8000, v54;
	vm9 =	veq.s32 v20, v10;
	[tilespmem:v15+s9+$0x0] =	vst.idx.add.s32.msk vm2, v9  }
0xcb: {  	v57 =	vand.u32 $0x7FFF, v14;
	vm14 =	veq.s32 v17, v11;
	[tilespmem:v22+s9+$0x0] =	vst.idx.add.s32.msk vm0, v9  }
0xcc: {  	v63 =	vor.u32 $0x8000, v61;
	vm10 =	veq.s32 v20, v11;
	v56 =	vshrl.u32 v21, $0xF;
	[tilespmem:v13+s9+$0x0] =	vst.idx.add.s32.msk vm4, v9  }
0xcd: {  	v59 =	vor.u32 $0x8000, v57;
	vm15 =	veq.s32 v19, v11;
	v58 =	vand.u32 $0xFFFF, v56;
	[tilespmem:v54+s9+$0x0] =	vst.idx.add.s32.msk vm5, v9  }
0xce: {  	vm11 =	veq.s32 v58, v10;
	v13 =	vor.u32 $0x8000, v13;
	[tilespmem:v61+s9+$0x0] =	vst.idx.add.s32.msk vm12, v9  }
0xcf: {  	s17 =	sadd.s32 $0x1, s17;
	v60 =	vand.u32 $0x7FFF, v21;
	vm13 =	veq.s32 v58, v11;
	[tilespmem:v23+s9+$0x0] =	vst.idx.add.s32.msk vm6, v9  }
0xd0: {  	p0 =	sne.s32 s17, $0x8;
	v62 =	vor.u32 $0x8000, v60;
	[tilespmem:v57+s9+$0x0] =	vst.idx.add.s32.msk vm9, v9  }
.Ltmp3:
0xd1: {  	[tilespmem:v63+s9+$0x0] =	vst.idx.add.s32.msk vm14, v9;
	(pc) =	sbr.rel @p0 .LBB2_4-.Ltmp3, $4  }
0xd2: {  	[tilespmem:v59+s9+$0x0] =	vst.idx.add.s32.msk vm10, v9  }
0xd3: {  	[tilespmem:v13+s9+$0x0] =	vst.idx.add.s32.msk vm15, v9  }
0xd4: {  	[tilespmem:v60+s9+$0x0] =	vst.idx.add.s32.msk vm11, v9  }
0xd5: {  	[tilespmem:v62+s9+$0x0] =	vst.idx.add.s32.msk vm13, v9  }
0xd6: {  	s15 =	sadd.s32 $0x1, s15  }
0xd7: {  	p0 =	sne.s32 s15, s8  }
.Ltmp4:
0xd8: {  	_ = 	snop;
	(pc) =	sbr.rel @p0 .LBB2_1-.Ltmp4, $4  }
0xd9: {  	[hbm4b:s7+s2] =	stream.linear.scatter [tilespmem:s9], [sflag:$0x3], $0x10000, $0x38;
	[tilespmem:$0x18080] =	vst v63  }
0xda: {  	_ =	swait.ge [sflag:s11], $0x10000  }
0xdb: {  	[sflag:s11] =	ssyncset.done $0x0  }
0xdc: {  	[sflag:s11] =	ssyncadd.s32 $0xFFFF0000  }
0xdd: {  	_ =	sfence.sel $0x180000  }
0xde: {  	[bflag:$0x0] =	sbarrier.arrive $0xFFFF  }
0xdf: {  	p0 =	sne.s32 s1, $0x0;
	_ =	strace $0x9000004A  }
0xe0: {  	s0 =	sadd.s32 @!p0 $0x100000, s0;
	[bflag:$0x2] =	sbarrier.arrive $0xFFFF  }
0xe1: {  	[sflag:s0] =	ssyncadd.tile.s32 @!p0 $0x1;
	_ =	shalt  }
.Lfunc_end2:
_tile_overlayer_lowered:
.L_overlay_start_2:
0xe2: {  	(tag) =	ssettag $0x2  }
0xe3: {  	s0 =	rddreg [dreg:$0x0];
	s2 =	stileid.u32  }
0xe4: {  	s1 =	rddreg [dreg:$0x1];
	p0 =	sne.s32 s2, $0x0  }
0xe5: {  	s3 =	rddreg [dreg:$0x2];
	[bflag:$0x3] =	sbarrier.arrive $0xFFFF;
	s2 =	simm.s32 @!p0 $0x1C03  }
0xe6: {  	[timem:s3], [sflag:s2] =	dma.local @!p0 [hbm:s0], s1  }
0xe7: {  	s0 =	simm.s32 @!p0 $0x3  }
0xe8: {  	_ =	swait.ge @!p0 [sflag:s0], s1  }
0xe9: {  	s1 =	ssub.s32 @!p0 $0x0, s1;
	[sflag:s0] =	ssyncset.done @!p0 $0x0  }
0xea: {  	[sflag:s0] =	ssyncadd.s32 @!p0 s1  }
0xeb: {  	[bflag:$0x3] =	sbarrier.arrive $0xFFFF  }
0xec: {  	_ =	shalt  }

// kernel: kernel.7.cloned.1.call-start
scs
__scs_entry_jumppad:
0x0: {  	(pc) =	sbr.rel $0x88, $3  }
0x1: {  	(tag) =	ssettag $0x0;
	lr =	simm.s32 $0x1  }
0x2: {  	[smem:$0x3FA0] =	sst lr;
	_ =	strace $0xD0000000  }
0x3: {  	_ = 	snop  }
0x4: {  	_ = 	snop  }
0x5: {  	_ = 	snop  }
0x6: {  	_ = 	snop  }
0x7: {  	_ = 	snop  }
__scs_overlays_trampoline_lowered:
0x8: {  	[smem:$0x3FAF] =	sst s0  }
0x9: {  	[smem:$0x3FB0] =	sst s1  }
0xa: {  	[smem:$0x3FB1] =	sst s2  }
0xb: {  	[smem:$0x3FB2] =	sst s3  }
0xc: {  	[smem:$0x3FB3] =	sst s4  }
0xd: {  	[smem:$0x3FB4] =	sst s5  }
0xe: {  	[smem:$0x3FB5] =	sst s6  }
0xf: {  	[smem:$0x3FB6] =	sst s7  }
0x10: {  	[smem:$0x3FB7] =	sst s8  }
0x11: {  	[smem:$0x3FB8] =	sst s9;
	s0 =	simm.s32 @!p0 $0x0  }
0x12: {  	s1 =	sld [smem:$0x3F9E];
	s0 =	simm.s32 @p0 $0x1  }
0x13: {  	[smem:$0x3FB9] =	sst s0;
	s0 =	simm.s32 @!p1 $0x0  }
0x14: {  	s2 =	sld [smem:$0x3F9D];
	s0 =	simm.s32 @p1 $0x1  }
0x15: {  	[smem:$0x3FBA] =	sst s0;
	s0 =	simm.s32 @!p2 $0x0  }
0x16: {  	s3 =	sld [smem:$0x3FDB];
	s0 =	simm.s32 @p2 $0x1  }
0x17: {  	s4 =	simm.s32 $0x1BF5;
	[smem:$0x3FBC] =	sst s0  }
0x18: {  	s0 =	sld [smem:$0x3F9F];
	_ =	swait.ge [sflag:s4], $0x0  }
0x19: {  	s7 =	sld [smem:$0x3FA0]  }
0x1a: {  	s8 =	sadd.s32 $0xFFFFE003, lr  }
0x1b: {  	s9 =	sadd.s32 $0xFFFFFEF7, lr;
	s5 =	simm.s32 $0xFFFFFFFF;
	p2 =	slt.u32 s8, $0xFFFFF086  }
0x1c: {  	p1 =	slt.u32 s9, $0xF7A;
	s5 =	simm.s32 @!p2 $0x0  }
0x1d: {  	s5 =	simm.s32 @p1 $0x1;
	p0 =	seq.s32 s7, s2  }
0x1e: {  	s7 =	smul.u32 @!p0 $0xF7A, s2;
	p2 =	seq.s32 @!p0 s5, $0x0  }
0x1f: {  	s9 =	smul.u32 $0xF7A, s1;
	s8 =	simm.s32 @!p0 $0x1BF5;
	p2 =	por !p2, p0  }
0x20: {  	[sflag:s8] =	ssyncset.s32 @!p0 $0xFFFFF086;
	s6 =	sadd.s32 @!p0 s3, s7;
	s7 =	simm.s32 @!p0 $0x108  }
0x21: {  	s3 =	sadd.s32 s3, s9;
	s6 =	sadd.s32 @!p0 $0x88, s6;
	s7 =	simm.s32 @p2 $0x1082  }
0x22: {  	[simem:s7], [sflag:s8] =	dma.local @!p0 [hbm:s6], $0xF7A  }
0x23: {  	s9 =	sor.u32 $0xD0000000, s2;
	s6 =	simm.s32 $0x108;
	_ =	swait.ge @!p0 [sflag:s8], $0x0  }
0x24: {  	s3 =	sadd.s32 $0x88, s3;
	s6 =	simm.s32 @!p1 $0x1082;
	[sflag:s4] =	ssyncset.s32 $0xFFFFF086  }
0x25: {  	[simem:s6], [sflag:s4] =	dma.local [hbm:s3], $0xF7A  }
0x26: {  	[smem:$0x3FA0] =	sst s1;
	(tag) =	ssettag s2;
	_ =	strace s9  }
0x27: {  	s1 =	sld [smem:$0x3FB0]  }
0x28: {  	s2 =	sld [smem:$0x3FB1]  }
0x29: {  	s4 =	sld [smem:$0x3FB3]  }
0x2a: {  	p0 =	seq.s32 s5, $0x0;
	s5 =	sld [smem:$0x3FB4]  }
0x2b: {  	s6 =	sld [smem:$0x3FB5]  }
0x2c: {  	s7 =	sld [smem:$0x3FB6]  }
0x2d: {  	s3 =	simm.s32 $0x108;
	s8 =	sld [smem:$0x3FB7]  }
0x2e: {  	s3 =	simm.s32 @!p0 $0x1082;
	s9 =	sld [smem:$0x3FB8]  }
0x2f: {  	lr =	sadd.s32 s0, s3;
	s0 =	sld [smem:$0x3FAF]  }
0x30: {  	s3 =	sld [smem:$0x3FB2]  }
0x31: {  	[smem:$0x3FBB] =	sst s10  }
0x32: {  	s10 =	sld [smem:$0x3FB9];
	_ =	sdelay $0x3  }
0x33: {  	p0 =	seq.s32 s10, $0x1;
	s10 =	sld [smem:$0x3FBB];
	_ =	sdelay $0x3  }
0x34: {  	[smem:$0x3FBB] =	sst s10  }
0x35: {  	s10 =	sld [smem:$0x3FBA];
	_ =	sdelay $0x3  }
0x36: {  	p1 =	seq.s32 s10, $0x1;
	s10 =	sld [smem:$0x3FBB];
	_ =	sdelay $0x3  }
0x37: {  	[smem:$0x3FBB] =	sst s10  }
0x38: {  	s10 =	sld [smem:$0x3FBC]  }
0x39: {  	_ = 	snop;
	(pc) =	sbr.ind lr, $3  }
0x3a: {  	_ = 	snop  }
0x3b: {  	_ = 	snop  }
0x3c: {  	p2 =	seq.s32 s10, $0x1;
	s10 =	sld [smem:$0x3FBB]  }
0x3d: {  	_ =	shalt  }
0x3e: {  	_ =	shalt  }
0x3f: {  	_ =	shalt  }
0x40: {  	_ =	shalt  }
0x41: {  	_ =	shalt  }
0x42: {  	_ =	shalt  }
0x43: {  	_ =	shalt  }
0x44: {  	_ =	shalt  }
0x45: {  	_ =	shalt  }
0x46: {  	_ =	shalt  }
0x47: {  	_ =	shalt  }
0x48: {  	_ =	shalt  }
0x49: {  	_ =	shalt  }
0x4a: {  	_ =	shalt  }
0x4b: {  	_ =	shalt  }
0x4c: {  	_ =	shalt  }
0x4d: {  	_ =	shalt  }
0x4e: {  	_ =	shalt  }
0x4f: {  	_ =	shalt  }
0x50: {  	_ =	shalt  }
0x51: {  	_ =	shalt  }
0x52: {  	_ =	shalt  }
0x53: {  	_ =	shalt  }
0x54: {  	_ =	shalt  }
0x55: {  	_ =	shalt  }
0x56: {  	_ =	shalt  }
0x57: {  	_ =	shalt  }
0x58: {  	_ =	shalt  }
0x59: {  	_ =	shalt  }
0x5a: {  	_ =	shalt  }
0x5b: {  	_ =	shalt  }
0x5c: {  	_ =	shalt  }
0x5d: {  	_ =	shalt  }
0x5e: {  	_ =	shalt  }
0x5f: {  	_ =	shalt  }
0x60: {  	_ =	shalt  }
0x61: {  	_ =	shalt  }
0x62: {  	_ =	shalt  }
0x63: {  	_ =	shalt  }
0x64: {  	_ =	shalt  }
0x65: {  	_ =	shalt  }
0x66: {  	_ =	shalt  }
0x67: {  	_ =	shalt  }
0x68: {  	_ =	shalt  }
0x69: {  	_ =	shalt  }
0x6a: {  	_ =	shalt  }
0x6b: {  	_ =	shalt  }
0x6c: {  	_ =	shalt  }
0x6d: {  	_ =	shalt  }
0x6e: {  	_ =	shalt  }
0x6f: {  	_ =	shalt  }
0x70: {  	_ =	shalt  }
0x71: {  	_ =	shalt  }
0x72: {  	_ =	shalt  }
0x73: {  	_ =	shalt  }
0x74: {  	_ =	shalt  }
0x75: {  	_ =	shalt  }
0x76: {  	_ =	shalt  }
0x77: {  	_ =	shalt  }
0x78: {  	_ =	shalt  }
0x79: {  	_ =	shalt  }
0x7a: {  	_ =	shalt  }
0x7b: {  	_ =	shalt  }
0x7c: {  	_ =	shalt  }
0x7d: {  	_ =	shalt  }
0x7e: {  	_ =	shalt  }
0x7f: {  	_ =	shalt  }
0x80: {  	_ =	shalt  }
0x81: {  	_ =	shalt  }
0x82: {  	_ =	shalt  }
0x83: {  	_ =	shalt  }
0x84: {  	_ =	shalt  }
0x85: {  	_ =	shalt  }
0x86: {  	_ =	shalt  }
0x87: {  	_ =	shalt  }
.Lfunc_end0:
.L_simem_size_0:
called_computation_lowered:
.L_overlay_start_0:
0x88: {  	s2 =	sld [smem:$0x3FD9]  }
0x89: {  	s3 =	sld [smem:$0x3FFE];
	_ =	sdelay $0x1  }
0x8a: {  	s1 =	srdreg.scid  }
0x8b: {  	s0 =	sand.u32 $0x1, s1  }
0x8c: {  	s17 =	sshll.u32 s0, $0xA;
	s2 =	sadd.s32 s3, s2  }
0x8d: {  	s2 =	sadd.s32 s2, s17  }
0x8e: {  	[smem:$0x3FC7] =	sst s2  }
0x8f: {  	_ = 	snop  }
0x90: {  	s2 =	sld [smem:$0x3FC9]  }
0x91: {  	s18 =	sld [smem:$0x3FD0];
	(tm) =	ssettm $0x1  }
0x92: {  	s4 =	sld [smem:$0x3FFB];
	_ =	sdelay $0x3  }
0x93: {  	_ =	strace s4  }
0x94: {  	s4 =	sld [smem:$0x3FFC];
	_ =	sdelay $0x3  }
0x95: {  	_ =	strace s4  }
0x96: {  	s4 =	sld [smem:$0x3FFD];
	_ =	sdelay $0x3  }
0x97: {  	_ =	strace s4  }
0x98: {  	_ =	strace $0x8FFFFFFF  }
0x99: {  	s19 =	sld [smem:$0x3FDB];
	_ =	sdelay $0x1  }
0x9a: {  	s5 =	simm.s32 $_scs_section_size  }
0x9b: {  	s6 =	simm.s32 $_size__tile_overlayer_lowered;
	s7 =	simm.s32 $_tile_overlayer_lowered  }
0x9c: {  	s22 =	simm.s32 $0x1BFF;
	s21 =	sshll.u32 s7, $0x1;
	s4 =	sadd.s32 s5, s19  }
0x9d: {  	s8 =	simm.s32 $0x0;
	s20 =	sshll.u32 s6, $0x1;
	s6 =	sadd.s32 s21, s4  }
0x9e: {  	[timem:s8], [sflag:s22] =	dma.local [hbm:s6], s20  }
0x9f: {  	_ =	swait.ge [sflag:s22], s20  }
0xa0: {  	s5 =	ssub.s32 $0x0, s20;
	[sflag:s22] =	ssyncset.done $0x0  }
0xa1: {  	[sflag:s22] =	ssyncadd.s32 s5;
	_ =	sdelay $0x1  }
0xa2: {  	s23 =	simm.s32 $0x1B8B  }
0xa3: {  	_ =	swait.ge [sflag:s23], $0x1  }
0xa4: {  	[sflag:s23] =	ssyncset.done $0x0  }
0xa5: {  	s25 =	simm.s32 $0x1B8E;
	s24 =	sld [smem:$0x3FFE];
	[sflag:s23] =	ssyncadd.s32 $0xFFFFFFFF  }
0xa6: {  	s26 =	simm.s32 $execute0_lowered;
	[smem:$0x3FD2] =	sst s25  }
0xa7: {  	s6 =	sshll.u32 s26, $0x1;
	_ =	strace $0x80000046;
	[dreg:$0x1] =	wrdreg $0xFFFFFFFF  }
0xa8: {  	s28 =	simm.s32 $_size_execute0_lowered;
	s4 =	sadd.s32 s4, s6;
	[dreg:$0x0] =	wrdreg $0x0  }
0xa9: {  	s6 =	sshll.u32 s28, $0x1;
	[dreg:$0x2] =	wrdreg s4  }
0xaa: {  	[dreg:$0x3] =	wrdreg s6  }
0xab: {  	[dreg:$0x4] =	wrdreg $0xC0  }
0xac: {  	_ =	task [dreg:s8], $0x5FFFF  }
0xad: {  	[dreg:$0x1] =	wrdreg $0xFFFFFFFF  }
0xae: {  	[dreg:$0x0] =	wrdreg $0x60  }
0xaf: {  	[dreg:$0x2] =	wrdreg s2  }
0xb0: {  	[dreg:$0x3] =	wrdreg s24  }
0xb1: {  	[dreg:$0x4] =	wrdreg s18  }
0xb2: {  	[dreg:$0x5] =	wrdreg $0x9  }
0xb3: {  	_ =	task.clear_ibuf [dreg:s8], $0x6FFFF;
	_ =	strace $0x90000046  }
0xb4: {  	s29 =	simm.s32 $0x9;
	_ =	strace $0x80000048  }
0xb5: {  	_ =	swait.ge [sflag:s29], $0x1  }
0xb6: {  	[sflag:s29] =	ssyncadd.s32 $0xFFFFFFFF  }
0xb7: {  	_ =	strace $0x90000048  }
0xb8: {  	_ =	sfence  }
0xb9: {  	s30 =	sld [smem:$0x0];
	_ =	sdelay $0x2  }
0xba: {  	s31 =	sshll.u32 s1, $0xD;
	s1 =	sshrl.u32 s1, $0x2  }
0xbb: {  	s3 =	sand.u32 $0x4000, s31;
	s1 =	sadd.s32 s1, s30  }
0xbc: {  	s0 =	sor.u32 s3, s0;
	s1 =	sshll.u32 s1, $0x11  }
0xbd: {  	s0 =	sor.u32 s1, s0  }
0xbe: {  	s0 =	sadd.s32 $0x8F2B, s0  }
0xbf: {  	[sflag:s0] =	ssyncadd.remote.s32 $0x1  }
0xc0: {  	_ =	sfence.sel $0xFFFF  }
0xc1: {  	[dreg:$0x0] =	wrdreg $0xFFFFFFFF;
	(pc) =	sbr.abs _section_cstart, $3  }
0xc2: {  	[dreg:$0x1] =	wrdreg $0xFFFFFFFF  }
0xc3: {  	_ =	task.clear_ibuf [dreg:s8], $0x2FFFF;
	_ =	strace $0x9FFFFFFF  }
0xc4: {  	(tm) =	ssettm $0x7FFFFFFF  }
0xc5: {  	_ =	shalt  }
tec
execute0_lowered:
.L_overlay_start_1:
0x0: {  	(tag) =	ssettag $0x1  }
0x1: {  	s4 =	rddreg [dreg:$0x0]  }
0x2: {  	s3 =	rddreg [dreg:$0x1]  }
0x3: {  	s7 =	rddreg [dreg:$0x2]  }
0x4: {  	s0 =	rddreg [dreg:$0x3]  }
0x5: {  	s5 =	srdreg.scid;
	s1 =	stileid.u32  }
0x6: {  	s2 =	simm.s32 $0x0;
	s10 =	simm.s32 $0x18000;
	s11 =	simm.s32 $0x3  }
0x7: {  	s12 =	simm.s32 $0x4000;
	s13 =	simm.s32 $0x1;
	s14 =	simm.s32 $0x2  }
0x8: {  	s15 =	simm.s32 $0x0;
	s5 =	sand.u32 $0x1, s5;
	s6 =	sshll.u32 s1, $0x1  }
0x9: {  	[smem:$0x7FF] =	sst s2;
	s3 =	sadd.s32 $0x1200, s3;
	s8 =	ssub.s32 $0x2, s5  }
0xa: {  	v0 =	vlaneseq.u32;
	s9 =	sor.u32 s5, s6;
	_ =	strace $0x80000047;
	s31 =	sshrl.u32 s8, $0x1  }
0xb: {  	v1 =	vimm.s32 $0x0;
	v9 =	vimm.s32 $0x1;
	v2 =	vor.u32 $0x10, v0;
	s6 =	sshll.u32 s9, $0xF;
	s9 =	sshll.u32 s9, $0xD;
	s8 =	ssub.s32 s8, s31  }
0xc: {  	v3 =	vor.u32 $0x20, v0;
	v4 =	vor.u32 $0x30, v0;
	v5 =	vor.u32 $0x40, v0;
	s4 =	sadd.s32 s4, s6;
	s7 =	sadd.s32 s7, s9;
	s9 =	simm.s32 $0x8000  }
0xd: {  	v6 =	vor.u32 $0x50, v0;
	v7 =	vor.u32 $0x60, v0;
	v8 =	vor.u32 $0x70, v0;
	s5 =	sadd.s32 $0x800, s4;
	s6 =	sadd.s32 $0x1000, s4;
	s8 =	smax.u32 s8, $0x1  }
.LBB2_1:
0xe: {  	s16 =	simm.s32 $0x0  }
0xf: {  	s17 =	simm.s32 $0x80;
	s19 =	simm.s32 $0x180;
	v20 =	vor.u32 s16, v0;
	v11 =	vor.u32 s16, v2;
	v10 =	vor.u32 s16, v3  }
0x10: {  	v13 =	vor.u32 s17, v0;
	v12 =	vor.u32 s17, v2;
	v28 =	vor.u32 s19, v0  }
0x11: {  	v15 =	vor.u32 s17, v3;
	v14 =	vor.u32 s17, v4;
	v24 =	vor.u32 s19, v2  }
0x12: {  	[tilespmem:s2], [sflag:$0x1] =	stream.linear.gather [hbm4b:s4+s2], $0x4000, $0x38;
	v17 =	vor.u32 s17, v5;
	v16 =	vor.u32 s17, v6;
	v25 =	vor.u32 s19, v3;
	[tilespmem:$0x18080] =	vst v63  }
0x13: {  	s18 =	simm.s32 $0x100;
	v19 =	vor.u32 s17, v7;
	v18 =	vor.u32 s17, v8;
	v26 =	vor.u32 s19, v4  }
0x14: {  	v23 =	vor.u32 s18, v0;
	v27 =	vor.u32 s19, v5;
	v22 =	vor.u32 s18, v3;
	[tilespmem:v20+s9+$0x0] =	vst.idx.msk $0xffff, v1  }
0x15: {  	v21 =	vor.u32 s18, v4;
	s17 =	simm.s32 $0x4;
	v20 =	vor.u32 s18, v2;
	[tilespmem:v28+s9+$0x0] =	vst.idx.msk $0xffff, v1;
	v28 =	vor.u32 s19, v6  }
.LBB2_2:
0x16: {  	p0 =	slt.u32 s17, $0x1FC;
	v29 =	vor.u32 s18, v5;
	v30 =	vor.u32 s18, v6;
	[tilespmem:v24+s9+$0x0] =	vst.idx.msk $0xffff, v1;
	v24 =	vor.u32 s19, v7  }
0x17: {  	v31 =	vor.u32 s18, v7;
	v32 =	vor.u32 s18, v8;
	[tilespmem:v25+s9+$0x0] =	vst.idx.msk $0xffff, v1;
	v25 =	vor.u32 s19, v8  }
0x18: {  	v33 =	vor.u32 s16, v4;
	v34 =	vor.u32 s16, v5;
	v35 =	vor.u32 s16, v6;
	[tilespmem:v26+s9+$0x0] =	vst.idx.msk $0xffff, v1  }
0x19: {  	v36 =	vor.u32 s16, v8;
	v26 =	vor.u32 s16, v7;
	[tilespmem:v27+s9+$0x0] =	vst.idx.msk $0xffff, v1  }
0x1a: {  	[tilespmem:v28+s9+$0x0] =	vst.idx.msk $0xffff, v1  }
0x1b: {  	[tilespmem:v24+s9+$0x0] =	vst.idx.msk $0xffff, v1  }
0x1c: {  	[tilespmem:v25+s9+$0x0] =	vst.idx.msk $0xffff, v1  }
0x1d: {  	[tilespmem:v13+s9+$0x0] =	vst.idx.msk $0xffff, v1  }
0x1e: {  	[tilespmem:v12+s9+$0x0] =	vst.idx.msk $0xffff, v1  }
0x1f: {  	[tilespmem:v15+s9+$0x0] =	vst.idx.msk $0xffff, v1  }
0x20: {  	[tilespmem:v14+s9+$0x0] =	vst.idx.msk $0xffff, v1  }
0x21: {  	[tilespmem:v17+s9+$0x0] =	vst.idx.msk $0xffff, v1  }
0x22: {  	[tilespmem:v16+s9+$0x0] =	vst.idx.msk $0xffff, v1  }
0x23: {  	[tilespmem:v19+s9+$0x0] =	vst.idx.msk $0xffff, v1  }
0x24: {  	[tilespmem:v18+s9+$0x0] =	vst.idx.msk $0xffff, v1  }
0x25: {  	[tilespmem:v23+s9+$0x0] =	vst.idx.msk $0xffff, v1  }
0x26: {  	[tilespmem:v20+s9+$0x0] =	vst.idx.msk $0xffff, v1  }
0x27: {  	[tilespmem:v22+s9+$0x0] =	vst.idx.msk $0xffff, v1  }
0x28: {  	[tilespmem:v21+s9+$0x0] =	vst.idx.msk $0xffff, v1  }
0x29: {  	[tilespmem:v29+s9+$0x0] =	vst.idx.msk $0xffff, v1  }
0x2a: {  	[tilespmem:v30+s9+$0x0] =	vst.idx.msk $0xffff, v1  }
0x2b: {  	[tilespmem:v31+s9+$0x0] =	vst.idx.msk $0xffff, v1  }
0x2c: {  	[tilespmem:v32+s9+$0x0] =	vst.idx.msk $0xffff, v1  }
0x2d: {  	[tilespmem:v11+s9+$0x0] =	vst.idx.msk $0xffff, v1  }
0x2e: {  	s16 =	sshll.u32 s17, $0x7;
	[tilespmem:v10+s9+$0x0] =	vst.idx.msk $0xffff, v1  }
0x2f: {  	s20 =	sadd.s32 $0x80, s16;
	s18 =	sadd.s32 $0x100, s16;
	s19 =	sadd.s32 $0x180, s16;
	v20 =	vor.u32 s16, v0;
	v11 =	vor.u32 s16, v2;
	v10 =	vor.u32 s16, v3;
	[tilespmem:v33+s9+$0x0] =	vst.idx.msk $0xffff, v1  }
0x30: {  	v28 =	vor.u32 s19, v0;
	v13 =	vor.u32 s20, v0;
	v12 =	vor.u32 s20, v2;
	[tilespmem:v34+s9+$0x0] =	vst.idx.msk $0xffff, v1  }
.Ltmp0:
0x31: {  	v24 =	vor.u32 s19, v2;
	v15 =	vor.u32 s20, v3;
	v14 =	vor.u32 s20, v4;
	[tilespmem:v35+s9+$0x0] =	vst.idx.msk $0xffff, v1;
	(pc) =	sbr.rel @p0 .LBB2_2-.Ltmp0, $4  }
0x32: {  	v25 =	vor.u32 s19, v3;
	v17 =	vor.u32 s20, v5;
	v16 =	vor.u32 s20, v6;
	[tilespmem:v26+s9+$0x0] =	vst.idx.msk $0xffff, v1  }
0x33: {  	v19 =	vor.u32 s20, v7;
	v18 =	vor.u32 s20, v8;
	v26 =	vor.u32 s19, v4;
	[tilespmem:v36+s9+$0x0] =	vst.idx.msk $0xffff, v1  }
0x34: {  	v27 =	vor.u32 s19, v5;
	v23 =	vor.u32 s18, v0;
	[tilespmem:v20+s9+$0x0] =	vst.idx.msk $0xffff, v1;
	v20 =	vor.u32 s18, v2  }
0x35: {  	s17 =	sadd.s32 $0x4, s17;
	v22 =	vor.u32 s18, v3;
	v21 =	vor.u32 s18, v4;
	[tilespmem:v28+s9+$0x0] =	vst.idx.msk $0xffff, v1;
	v28 =	vor.u32 s19, v6  }
0x36: {  	_ =	sdelay $0x3  }
0x37: {  	[tilespmem:v24+s9+$0x0] =	vst.idx.msk $0xffff, v1  }
0x38: {  	[tilespmem:v13+s9+$0x0] =	vst.idx.msk $0xffff, v1  }
0x39: {  	[tilespmem:v23+s9+$0x0] =	vst.idx.msk $0xffff, v1  }
0x3a: {  	[tilespmem:v11+s9+$0x0] =	vst.idx.msk $0xffff, v1  }
0x3b: {  	[tilespmem:v25+s9+$0x0] =	vst.idx.msk $0xffff, v1  }
0x3c: {  	[tilespmem:v12+s9+$0x0] =	vst.idx.msk $0xffff, v1  }
0x3d: {  	[tilespmem:v20+s9+$0x0] =	vst.idx.msk $0xffff, v1  }
0x3e: {  	[tilespmem:v10+s9+$0x0] =	vst.idx.msk $0xffff, v1  }
0x3f: {  	[tilespmem:v26+s9+$0x0] =	vst.idx.msk $0xffff, v1  }
0x40: {  	[tilespmem:v15+s9+$0x0] =	vst.idx.msk $0xffff, v1  }
0x41: {  	[tilespmem:v22+s9+$0x0] =	vst.idx.msk $0xffff, v1  }
0x42: {  	v54 =	vor.u32 s19, v7;
	[tilespmem:v27+s9+$0x0] =	vst.idx.msk $0xffff, v1  }
0x43: {  	[tilespmem:v14+s9+$0x0] =	vst.idx.msk $0xffff, v1  }
0x44: {  	v56 =	vor.u32 s18, v5;
	[tilespmem:v21+s9+$0x0] =	vst.idx.msk $0xffff, v1  }
0x45: {  	v60 =	vor.u32 s16, v4;
	[tilespmem:v28+s9+$0x0] =	vst.idx.msk $0xffff, v1  }
0x46: {  	v55 =	vor.u32 s19, v8;
	[tilespmem:v17+s9+$0x0] =	vst.idx.msk $0xffff, v1  }
0x47: {  	[tilespmem:v54+s9+$0x0] =	vst.idx.msk $0xffff, v1  }
0x48: {  	v57 =	vor.u32 s18, v6;
	[tilespmem:v16+s9+$0x0] =	vst.idx.msk $0xffff, v1  }
0x49: {  	v61 =	vor.u32 s16, v5;
	[tilespmem:v56+s9+$0x0] =	vst.idx.msk $0xffff, v1  }
0x4a: {  	[tilespmem:v60+s9+$0x0] =	vst.idx.msk $0xffff, v1  }
0x4b: {  	v58 =	vor.u32 s18, v7;
	[tilespmem:v55+s9+$0x0] =	vst.idx.msk $0xffff, v1  }
0x4c: {  	v62 =	vor.u32 s16, v6;
	[tilespmem:v19+s9+$0x0] =	vst.idx.msk $0xffff, v1  }
0x4d: {  	v59 =	vor.u32 s18, v8;
	[tilespmem:v57+s9+$0x0] =	vst.idx.msk $0xffff, v1  }
0x4e: {  	v63 =	vor.u32 s16, v7;
	[tilespmem:v61+s9+$0x0] =	vst.idx.msk $0xffff, v1  }
0x4f: {  	v11 =	vor.u32 s16, v8;
	[tilespmem:v18+s9+$0x0] =	vst.idx.msk $0xffff, v1  }
0x50: {  	[tilespmem:v58+s9+$0x0] =	vst.idx.msk $0xffff, v1  }
0x51: {  	[tilespmem:v62+s9+$0x0] =	vst.idx.msk $0xffff, v1  }
0x52: {  	[tilespmem:v59+s9+$0x0] =	vst.idx.msk $0xffff, v1  }
0x53: {  	[tilespmem:v63+s9+$0x0] =	vst.idx.msk $0xffff, v1  }
0x54: {  	s16 =	simm.s32 $0x0;
	[tilespmem:v11+s9+$0x0] =	vst.idx.msk $0xffff, v1  }
0x55: {  	[tilespmem:s10], [sflag:$0x3] =	stream.linear.gather [hbm4b:s3+s16], $0x80, $0x38;
	[tilespmem:$0x18080] =	vst v63  }
0x56: {  	_ =	swait.ge [sflag:s11], $0x80  }
0x57: {  	[sflag:s11] =	ssyncset.done $0x0  }
0x58: {  	s17 =	simm.s32 $0x0;
	[sflag:s11] =	ssyncadd.s32 $0xFFFFFF80  }
.LBB2_4:
0x59: {  	s18 =	sshll.u32 s17, $0xC  }
0x5a: {  	s19 =	sadd.s32 s18, s5  }
0x5b: {  	[tilespmem:s12], [sflag:$0x2] =	stream.linear.gather [hbm4b:s19+s16], $0x4000, $0x38;
	[tilespmem:$0x18080] =	vst v63  }
0x5c: {  	s19 =	simm.s32 $0x0;
	_ =	swait.ge [sflag:s13], $0x4000  }
0x5d: {  	s20 =	sand.u32 $0x3C00, s16;
	s21 =	sand.u32 $0x380, s19;
	[sflag:s13] =	ssyncset.done $0x0  }
0x5e: {  	s20 =	sor.u32 s21, s20;
	[sflag:s13] =	ssyncadd.s32 $0xFFFFC000  }
0x5f: {  	v10 =	vld [tilespmem:s20+$0x70]  }
0x60: {  	v11 =	vld [tilespmem:s20+$0x0]  }
0x61: {  	v12 =	vld [tilespmem:s20+$0x10]  }
0x62: {  	v13 =	vld [tilespmem:s20+$0x20]  }
0x63: {  	v15 =	vld [tilespmem:s20+$0x30]  }
0x64: {  	v16 =	vld [tilespmem:s20+$0x40];
	v10 =	vshrl.u32 v10, $0xF  }
0x65: {  	v17 =	vld [tilespmem:s20+$0x50];
	v11 =	vshrl.u32 v11, $0xF;
	v10 =	vand.u32 $0xFFFF, v10  }
0x66: {  	v18 =	vld [tilespmem:s20+$0x60];
	v12 =	vshrl.u32 v12, $0xF;
	v11 =	vand.u32 $0xFFFF, v11  }
0x67: {  	v13 =	vshrl.u32 v13, $0xF;
	v14 =	vand.u32 $0xFFFF, v12  }
0x68: {  	v12 =	vand.u32 $0xFFFF, v13;
	v13 =	vshrl.u32 v15, $0xF  }
0x69: {  	v13 =	vand.u32 $0xFFFF, v13  }
0x6a: {  	v15 =	vshrl.u32 v16, $0xF;
	v16 =	vshrl.u32 v17, $0xF;
	[tilespmem:v10+s9+$0x0] =	vst.idx.add.s32.msk $0xffff, v9  }
0x6b: {  	s20 =	simm.s32 $0x0;
	v10 =	vand.u32 $0xFFFF, v15;
	[tilespmem:v11+s9+$0x0] =	vst.idx.add.s32.msk $0xffff, v9;
	v11 =	vand.u32 $0xFFFF, v16;
	v15 =	vshrl.u32 v18, $0xF  }
.LBB2_5:
0x6c: {  	s19 =	sadd.s32 $0x8, s19;
	[tilespmem:v14+s9+$0x0] =	vst.idx.add.s32.msk $0xffff, v9;
	v15 =	vand.u32 $0xFFFF, v15;
	s20 =	sadd.s32 $0x400, s20  }
0x6d: {  	s21 =	sand.u32 $0x3C00, s20;
	s22 =	sand.u32 $0x380, s19;
	p0 =	slt.u32 s19, $0x3F8;
	[tilespmem:v12+s9+$0x0] =	vst.idx.add.s32.msk $0xffff, v9  }
0x6e: {  	s21 =	sor.u32 s22, s21;
	[tilespmem:v13+s9+$0x0] =	vst.idx.add.s32.msk $0xffff, v9  }
0x6f: {  	v12 =	vld [tilespmem:s21+$0x70]  }
0x70: {  	v13 =	vld [tilespmem:s21+$0x0]  }
0x71: {  	v14 =	vld [tilespmem:s21+$0x10]  }
0x72: {  	v16 =	vld [tilespmem:s21+$0x20]  }
0x73: {  	v17 =	vld [tilespmem:s21+$0x30]  }
0x74: {  	v18 =	vld [tilespmem:s21+$0x40];
	v12 =	vshrl.u32 v12, $0xF  }
0x75: {  	v13 =	vshrl.u32 v13, $0xF;
	v19 =	vld [tilespmem:s21+$0x50];
	v20 =	vand.u32 $0xFFFF, v12  }
0x76: {  	v21 =	vand.u32 $0xFFFF, v13;
	v12 =	vshrl.u32 v14, $0xF;
	v22 =	vld [tilespmem:s21+$0x60]  }
.Ltmp1:
0x77: {  	v14 =	vand.u32 $0xFFFF, v12;
	v12 =	vshrl.u32 v16, $0xF;
	[tilespmem:v10+s9+$0x0] =	vst.idx.add.s32.msk $0xffff, v9;
	(pc) =	sbr.rel @p0 .LBB2_5-.Ltmp1, $4  }
0x78: {  	v12 =	vand.u32 $0xFFFF, v12;
	v10 =	vshrl.u32 v17, $0xF;
	[tilespmem:v11+s9+$0x0] =	vst.idx.add.s32.msk $0xffff, v9  }
0x79: {  	v13 =	vand.u32 $0xFFFF, v10;
	v10 =	vshrl.u32 v18, $0xF;
	[tilespmem:v15+s9+$0x0] =	vst.idx.add.s32.msk $0xffff, v9  }
0x7a: {  	v10 =	vand.u32 $0xFFFF, v10;
	v11 =	vshrl.u32 v19, $0xF;
	[tilespmem:v20+s9+$0x0] =	vst.idx.add.s32.msk $0xffff, v9  }
0x7b: {  	[tilespmem:v21+s9+$0x0] =	vst.idx.add.s32.msk $0xffff, v9;
	v11 =	vand.u32 $0xFFFF, v11;
	v15 =	vshrl.u32 v22, $0xF  }
0x7c: {  	_ =	sdelay $0x3  }
0x7d: {  	[tilespmem:v14+s9+$0x0] =	vst.idx.add.s32.msk $0xffff, v9;
	v14 =	vand.u32 $0xFFFF, v15  }
0x7e: {  	[tilespmem:v12+s9+$0x0] =	vst.idx.add.s32.msk $0xffff, v9  }
0x7f: {  	[tilespmem:v13+s9+$0x0] =	vst.idx.add.s32.msk $0xffff, v9  }
0x80: {  	[tilespmem:v10+s9+$0x0] =	vst.idx.add.s32.msk $0xffff, v9  }
0x81: {  	[tilespmem:v11+s9+$0x0] =	vst.idx.add.s32.msk $0xffff, v9;
	p0 =	seq.s32 s17, $0x7  }
0x82: {  	s18 =	sadd.s32 @!p0 s18, s6;
	s19 =	simm.s32 @!p0 $0x0;
	[tilespmem:v14+s9+$0x0] =	vst.idx.add.s32.msk $0xffff, v9  }
0x83: {  	[tilespmem:s19], [sflag:$0x1] =	stream.linear.gather @!p0 [hbm4b:s18+s19], $0x4000, $0x38;
	[tilespmem:$0x18080] =	vst v63  }
0x84: {  	s18 =	simm.s32 $0x0;
	s19 =	simm.s32 $0x0;
	_ =	swait.ge [sflag:s14], $0x4000  }
0x85: {  	s20 =	sand.u32 $0x3C00, s18;
	s21 =	sand.u32 $0x380, s19;
	[sflag:s14] =	ssyncset.done $0x0  }
0x86: {  	s20 =	sor.u32 s21, s20;
	[sflag:s14] =	ssyncadd.s32 $0xFFFFC000  }
0x87: {  	v10 =	vld [tilespmem:s20+$0x4070]  }
0x88: {  	v11 =	vld [tilespmem:s20+$0x4000]  }
0x89: {  	v12 =	vld [tilespmem:s20+$0x4010]  }
0x8a: {  	v13 =	vld [tilespmem:s20+$0x4020]  }
0x8b: {  	v15 =	vld [tilespmem:s20+$0x4030]  }
0x8c: {  	v16 =	vld [tilespmem:s20+$0x4040];
	v10 =	vshrl.u32 v10, $0xF  }
0x8d: {  	v17 =	vld [tilespmem:s20+$0x4050];
	v11 =	vshrl.u32 v11, $0xF;
	v10 =	vand.u32 $0xFFFF, v10  }
0x8e: {  	v18 =	vld [tilespmem:s20+$0x4060];
	v12 =	vshrl.u32 v12, $0xF;
	v11 =	vand.u32 $0xFFFF, v11  }
0x8f: {  	v13 =	vshrl.u32 v13, $0xF;
	v14 =	vand.u32 $0xFFFF, v12  }
0x90: {  	v12 =	vand.u32 $0xFFFF, v13;
	v13 =	vshrl.u32 v15, $0xF  }
0x91: {  	v13 =	vand.u32 $0xFFFF, v13  }
0x92: {  	v15 =	vshrl.u32 v16, $0xF;
	v16 =	vshrl.u32 v17, $0xF;
	[tilespmem:v10+s9+$0x0] =	vst.idx.add.s32.msk $0xffff, v9  }
0x93: {  	v10 =	vand.u32 $0xFFFF, v15;
	[tilespmem:v11+s9+$0x0] =	vst.idx.add.s32.msk $0xffff, v9;
	v11 =	vand.u32 $0xFFFF, v16;
	v15 =	vshrl.u32 v18, $0xF  }
.LBB2_7:
0x94: {  	s19 =	sadd.s32 $0x8, s19;
	[tilespmem:v14+s9+$0x0] =	vst.idx.add.s32.msk $0xffff, v9;
	v15 =	vand.u32 $0xFFFF, v15;
	s18 =	sadd.s32 $0x400, s18  }
0x95: {  	s20 =	sand.u32 $0x3C00, s18;
	s21 =	sand.u32 $0x380, s19;
	p0 =	slt.u32 s19, $0x3F8;
	[tilespmem:v12+s9+$0x0] =	vst.idx.add.s32.msk $0xffff, v9  }
0x96: {  	s20 =	sor.u32 s21, s20;
	[tilespmem:v13+s9+$0x0] =	vst.idx.add.s32.msk $0xffff, v9  }
0x97: {  	v12 =	vld [tilespmem:s20+$0x4070]  }
0x98: {  	v13 =	vld [tilespmem:s20+$0x4000]  }
0x99: {  	v14 =	vld [tilespmem:s20+$0x4010]  }
0x9a: {  	v16 =	vld [tilespmem:s20+$0x4020]  }
0x9b: {  	v17 =	vld [tilespmem:s20+$0x4030]  }
0x9c: {  	v18 =	vld [tilespmem:s20+$0x4040];
	v12 =	vshrl.u32 v12, $0xF  }
0x9d: {  	v13 =	vshrl.u32 v13, $0xF;
	v19 =	vld [tilespmem:s20+$0x4050];
	v20 =	vand.u32 $0xFFFF, v12  }
0x9e: {  	v21 =	vand.u32 $0xFFFF, v13;
	v12 =	vshrl.u32 v14, $0xF;
	v22 =	vld [tilespmem:s20+$0x4060]  }
.Ltmp2:
0x9f: {  	v14 =	vand.u32 $0xFFFF, v12;
	v12 =	vshrl.u32 v16, $0xF;
	[tilespmem:v10+s9+$0x0] =	vst.idx.add.s32.msk $0xffff, v9;
	(pc) =	sbr.rel @p0 .LBB2_7-.Ltmp2, $4  }
0xa0: {  	v12 =	vand.u32 $0xFFFF, v12;
	v10 =	vshrl.u32 v17, $0xF;
	[tilespmem:v11+s9+$0x0] =	vst.idx.add.s32.msk $0xffff, v9  }
0xa1: {  	v13 =	vand.u32 $0xFFFF, v10;
	v10 =	vshrl.u32 v18, $0xF;
	[tilespmem:v15+s9+$0x0] =	vst.idx.add.s32.msk $0xffff, v9  }
0xa2: {  	v10 =	vand.u32 $0xFFFF, v10;
	v11 =	vshrl.u32 v19, $0xF;
	[tilespmem:v20+s9+$0x0] =	vst.idx.add.s32.msk $0xffff, v9  }
0xa3: {  	[tilespmem:v21+s9+$0x0] =	vst.idx.add.s32.msk $0xffff, v9;
	v11 =	vand.u32 $0xFFFF, v11;
	v15 =	vshrl.u32 v22, $0xF  }
0xa4: {  	_ =	sdelay $0x2  }
0xa5: {  	s17 =	sadd.s32 $0x1, s17  }
0xa6: {  	[tilespmem:v14+s9+$0x0] =	vst.idx.add.s32.msk $0xffff, v9;
	v63 =	vand.u32 $0xFFFF, v15;
	p0 =	sne.s32 s17, $0x8  }
.Ltmp3:
0xa7: {  	[tilespmem:v12+s9+$0x0] =	vst.idx.add.s32.msk $0xffff, v9;
	(pc) =	sbr.rel @p0 .LBB2_4-.Ltmp3, $4  }
0xa8: {  	[tilespmem:v13+s9+$0x0] =	vst.idx.add.s32.msk $0xffff, v9  }
0xa9: {  	[tilespmem:v10+s9+$0x0] =	vst.idx.add.s32.msk $0xffff, v9  }
0xaa: {  	[tilespmem:v11+s9+$0x0] =	vst.idx.add.s32.msk $0xffff, v9  }
0xab: {  	[tilespmem:v63+s9+$0x0] =	vst.idx.add.s32.msk $0xffff, v9  }
0xac: {  	s15 =	sadd.s32 $0x1, s15  }
0xad: {  	p0 =	sne.s32 s15, s8  }
.Ltmp4:
0xae: {  	_ = 	snop;
	(pc) =	sbr.rel @p0 .LBB2_1-.Ltmp4, $4  }
0xaf: {  	[hbm4b:s7+s2] =	stream.linear.scatter [tilespmem:s9], [sflag:$0x3], $0x10000, $0x38;
	[tilespmem:$0x18080] =	vst v63  }
0xb0: {  	_ =	swait.ge [sflag:s11], $0x10000  }
0xb1: {  	[sflag:s11] =	ssyncset.done $0x0  }
0xb2: {  	[sflag:s11] =	ssyncadd.s32 $0xFFFF0000  }
0xb3: {  	_ =	sfence.sel $0x180000  }
0xb4: {  	[bflag:$0x0] =	sbarrier.arrive $0xFFFF  }
0xb5: {  	p0 =	sne.s32 s1, $0x0;
	_ =	strace $0x90000047  }
0xb6: {  	s0 =	sadd.s32 @!p0 $0x100000, s0;
	[bflag:$0x2] =	sbarrier.arrive $0xFFFF  }
0xb7: {  	[sflag:s0] =	ssyncadd.tile.s32 @!p0 $0x1;
	_ =	shalt  }
.Lfunc_end2:
_tile_overlayer_lowered:
.L_overlay_start_2:
0xb8: {  	(tag) =	ssettag $0x2  }
0xb9: {  	s0 =	rddreg [dreg:$0x0];
	s2 =	stileid.u32  }
0xba: {  	s1 =	rddreg [dreg:$0x1];
	p0 =	sne.s32 s2, $0x0  }
0xbb: {  	s3 =	rddreg [dreg:$0x2];
	[bflag:$0x3] =	sbarrier.arrive $0xFFFF;
	s2 =	simm.s32 @!p0 $0x1C03  }
0xbc: {  	[timem:s3], [sflag:s2] =	dma.local @!p0 [hbm:s0], s1  }
0xbd: {  	s0 =	simm.s32 @!p0 $0x3  }
0xbe: {  	_ =	swait.ge @!p0 [sflag:s0], s1  }
0xbf: {  	s1 =	ssub.s32 @!p0 $0x0, s1;
	[sflag:s0] =	ssyncset.done @!p0 $0x0  }
0xc0: {  	[sflag:s0] =	ssyncadd.s32 @!p0 s1  }
0xc1: {  	[bflag:$0x3] =	sbarrier.arrive $0xFFFF  }
0xc2: {  	_ =	shalt  }

</sc_bundles>
